<compile_context>
chip_gen: v7x
topology: tpu7x:2x2x1
jax: 0.10.2.dev20260603
libtpu: 0.0.44.dev20260713+nightly
codegen_flags: <defaults>
</compile_context>

<pallas_src>
import functools

import numpy as np
import jax
import jax.numpy as jnp
from jax import lax
from jax.experimental import pallas as pl
from jax.experimental.pallas import tpu as pltpu
from jax.experimental.pallas import tpu_sc as plsc

B, N, D = 32, 4096, 1024
KEEP = N // 2
ROWS = B * KEEP

NC, NS = 2, 16
NW = NC * NS
PER_W = ROWS // NW
CHUNK = 16
RING = 4
NCHUNK = PER_W // CHUNK


_R0 = (13, 15, 26, 6)
_R1 = (17, 29, 16, 24)


def _threefry2x32(k0, k1, x0, x1):
    x0 = np.asarray(x0, np.uint32).copy()
    x1 = np.asarray(x1, np.uint32).copy()
    ks0, ks1 = np.uint32(k0), np.uint32(k1)
    ks2 = np.uint32(ks0 ^ ks1 ^ np.uint32(0x1BD11BDA))
    with np.errstate(over="ignore"):
        x0 = (x0 + ks0).astype(np.uint32)
        x1 = (x1 + ks1).astype(np.uint32)
        sched = [(ks1, ks2), (ks2, ks0), (ks0, ks1), (ks1, ks2), (ks2, ks0)]
        for r in range(5):
            for rot in (_R0 if r % 2 == 0 else _R1):
                x0 = (x0 + x1).astype(np.uint32)
                x1 = ((x1 << np.uint32(rot)) |
                      (x1 >> np.uint32(32 - rot))).astype(np.uint32)
                x1 = (x1 ^ x0).astype(np.uint32)
            a, b = sched[r]
            x0 = (x0 + a).astype(np.uint32)
            x1 = (x1 + b + np.uint32(r + 1)).astype(np.uint32)
    return x0, x1


def _bits32(k0, k1, n):
    i = np.arange(n, dtype=np.uint64)
    c1 = (i >> np.uint64(32)).astype(np.uint32)
    c2 = (i & np.uint64(0xFFFFFFFF)).astype(np.uint32)
    b1, b2 = _threefry2x32(k0, k1, c1, c2)
    return b1 ^ b2


def _split2(k0, k1):
    i = np.arange(2, dtype=np.uint64)
    c1 = (i >> np.uint64(32)).astype(np.uint32)
    c2 = (i & np.uint64(0xFFFFFFFF)).astype(np.uint32)
    b1, b2 = _threefry2x32(k0, k1, c1, c2)
    return (b1[0], b2[0]), (b1[1], b2[1])


def _np_permutation(seed, n):
    key = (np.uint32(seed >> 32), np.uint32(seed & 0xFFFFFFFF))
    x = np.arange(n, dtype=np.int64)
    num_rounds = int(np.ceil(3 * np.log(max(1, n)) /
                             np.log(np.iinfo(np.uint32).max)))
    for _ in range(num_rounds):
        key, sub = _split2(*key)
        sort_keys = _bits32(sub[0], sub[1], n)
        x = x[np.argsort(sort_keys, kind="stable")]
    return x


def _flat_idx() -> np.ndarray:
    perm = _np_permutation(42, N)[:KEEP]
    flat = np.arange(B, dtype=np.int64)[:, None] * N + perm[None, :]
    return np.ascontiguousarray(flat.reshape(-1).astype(np.int32))


_IDX = _flat_idx()


_mesh = plsc.VectorSubcoreMesh(core_axis_name="c", subcore_axis_name="s")


@functools.partial(
    pl.kernel,
    mesh=_mesh,
    out_type=jax.ShapeDtypeStruct((ROWS, D), jnp.float32),
    scratch_types=(
        [pltpu.VMEM((PER_W,), jnp.int32)]
        + [pltpu.VMEM((CHUNK, D), jnp.float32) for _ in range(RING)]
        + [pltpu.SemaphoreType.DMA for _ in range(2 * RING)]
    ),
)
def _gather_rows(x_hbm, idx_hbm, out_hbm, idx_v, *bufs_sems):
    buf = bufs_sems[:RING]
    gs = bufs_sems[RING:2 * RING]
    ss = bufs_sems[2 * RING:]

    wid = lax.axis_index("s") * NC + lax.axis_index("c")
    base = wid * PER_W
    pltpu.sync_copy(idx_hbm.at[pl.ds(base, PER_W)], idx_v)

    def _gather(c, k):
        off = pl.multiple_of(c * CHUNK, 8)
        return pltpu.make_async_copy(
            x_hbm.at[idx_v.at[pl.ds(off, CHUNK)]], buf[k], gs[k])

    def _scatter(c, k):
        off = pl.multiple_of(base + c * CHUNK, 8)
        return pltpu.make_async_copy(buf[k], out_hbm.at[pl.ds(off, CHUNK)], ss[k])

    for c in range(RING - 1):
        _gather(c, c).start()

    _gather(0, 0).wait()
    _scatter(0, 0).start()
    _gather(RING - 1, RING - 1).start()

    def body(j, carry):
        for u in range(RING):
            c = RING * j + 1 + u
            k = (1 + u) % RING
            _gather(c, k).wait()
            _scatter(c, k).start()
            _scatter(c - 1, u % RING).wait()
            _gather(c + RING - 1, u % RING).start()
        return carry

    lax.fori_loop(0, (NCHUNK - RING) // RING, body, 0)

    for c in range(NCHUNK - RING + 1, NCHUNK):
        k = c % RING
        _gather(c, k).wait()
        _scatter(c, k).start()
        _scatter(c - 1, (c - 1) % RING).wait()
    _scatter(NCHUNK - 1, (NCHUNK - 1) % RING).wait()


def kernel(x):
    idx = jnp.asarray(_IDX)
    out = _gather_rows(x.reshape(B * N, D), idx)
    return out.reshape(B, KEEP, D)

# --- scband reference (transcript-rebuilt; emitter-appended) ---
"""Pipeline reference for scband-random-sampling-37486474559560 (READ-ONLY COPY).

The authoritative reference and input builder live on the scoring server;
editing this copy changes nothing except your own understanding.
"""

import jax, jax.numpy as jnp
import numpy as np

FACTOR = 2

def setup_inputs(seed: int = 0) -> dict:
    key = jax.random.key(seed)
    x = jax.random.normal(key, (32, 4096, 1024), dtype=jnp.float32)
    return {"x": x}

def reference(x):
    # Faithful translation of RandomSampling.forward:
    #   N = x.size(-2); idx = randperm(N)[: int(N * (1/factor))]; x.index_select(1, idx)
    # torch.randperm is stateful RNG; here we use a fixed jax key for determinism.
    f = 1.0 / FACTOR
    N = x.shape[-2]
    idx = jax.random.permutation(jax.random.key(42), N)[: int(N * f)]
    return jnp.take(x, idx, axis=1)

if __name__ == "__main__":
    import jax
    _d = setup_inputs()
    print(jax.jit(kernel)(*tuple(_d.values())))

</pallas_src>

<mosaic_0001>
#map = affine_map<(d0, d1) -> (0, 0)>
#map1 = affine_map<(d0, d1) -> (0)>
module attributes {stable_mosaic.version = 14 : i64} {
  func.func @_gather_rows(%arg0: i32, %arg1: i32, %arg2: memref<131072x1024xf32, #tpu.memory_space<hbm>>, %arg3: memref<65536xi32, #tpu.memory_space<hbm>>, %arg4: memref<65536x1024xf32, #tpu.memory_space<hbm>>, %arg5: memref<2048xi32, #tpu.memory_space<vmem>>, %arg6: memref<16x1024xf32, #tpu.memory_space<vmem>>, %arg7: memref<16x1024xf32, #tpu.memory_space<vmem>>, %arg8: memref<16x1024xf32, #tpu.memory_space<vmem>>, %arg9: memref<16x1024xf32, #tpu.memory_space<vmem>>, %arg10: memref<!tpu.dma_semaphore, #tpu.memory_space<semaphore_mem>>, %arg11: memref<!tpu.dma_semaphore, #tpu.memory_space<semaphore_mem>>, %arg12: memref<!tpu.dma_semaphore, #tpu.memory_space<semaphore_mem>>, %arg13: memref<!tpu.dma_semaphore, #tpu.memory_space<semaphore_mem>>, %arg14: memref<!tpu.dma_semaphore, #tpu.memory_space<semaphore_mem>>, %arg15: memref<!tpu.dma_semaphore, #tpu.memory_space<semaphore_mem>>, %arg16: memref<!tpu.dma_semaphore, #tpu.memory_space<semaphore_mem>>, %arg17: memref<!tpu.dma_semaphore, #tpu.memory_space<semaphore_mem>>) attributes {dimension_semantics = [#tpu.dimension_semantics<core_parallel>, #tpu.dimension_semantics<subcore_parallel>], iteration_bounds = array<i64: 2, 16>, scalar_prefetch = 0 : i64, scratch_operands = 13 : i64, tpu.core_type = #tpu.core_type<sc_vector_subcore>, window_params = [{transform_indices = #map}, {transform_indices = #map1}, {transform_indices = #map}]} {
    %mul3A = arith.constant 2 : i32
    %mul3A_0 = arith.muli %arg1, %mul3A : i32
    %add3A = arith.addi %mul3A_0, %arg0 : i32
    %mul3A_1 = arith.constant 2048 : i32
    %mul3A_2 = arith.muli %add3A, %mul3A_1 : i32
    "tpu.region"() ({
      %run_scoped3A = tpu.sem_alloc : memref<!tpu.dma_semaphore, #tpu.memory_space<semaphore_mem>>
      %dma_start3A_109 = tpu.memref_slice %arg3[%mul3A_2] : memref<65536xi32, #tpu.memory_space<hbm>> -> memref<2048xi32, #tpu.memory_space<hbm>>
      %dma_start3A_110 = tpu.memref_slice %arg3[%mul3A_2] : memref<65536xi32, #tpu.memory_space<hbm>> -> memref<2048xi32, #tpu.memory_space<hbm>>
      tpu.enqueue_dma source(%dma_start3A_110 : memref<2048xi32, #tpu.memory_space<hbm>>) target(%arg5 : memref<2048xi32, #tpu.memory_space<vmem>>) target_semaphore(%run_scoped3A : memref<!tpu.dma_semaphore, #tpu.memory_space<semaphore_mem>>)
      %dma_wait3A_111 = tpu.memref_slice %arg3[%mul3A_2] : memref<65536xi32, #tpu.memory_space<hbm>> -> memref<2048xi32, #tpu.memory_space<hbm>>
      %dma_wait3A_112 = tpu.memref_slice %arg3[%mul3A_2] : memref<65536xi32, #tpu.memory_space<hbm>> -> memref<2048xi32, #tpu.memory_space<hbm>>
      tpu.wait_dma2 semaphore(%run_scoped3A : memref<!tpu.dma_semaphore, #tpu.memory_space<semaphore_mem>>) src(%dma_wait3A_112 : memref<2048xi32, #tpu.memory_space<hbm>>) dst(%arg5 : memref<2048xi32, #tpu.memory_space<vmem>>)
      tpu.yield
    }) : () -> ()
    %multiple_of3A = arith.constant 0 : i32
    %multiple_of3A_3 = tpu.assume_multiple %multiple_of3A, 8 : i32
    %dma_start3A = tpu.memref_slice %arg5[%multiple_of3A_3] : memref<2048xi32, #tpu.memory_space<vmem>> -> memref<16xi32, #tpu.memory_space<vmem>>
    %dma_start3A_4 = arith.constant 0 : i32
    %dma_start3A_5 = arith.constant 0 : i32
    %dma_start3A_6 = tpu.memref_slice %arg2[%dma_start3A_4, %dma_start3A_5] : memref<131072x1024xf32, #tpu.memory_space<hbm>> -> memref<131072x1024xf32, #tpu.memory_space<hbm>>
    tpu.enqueue_indirect_dma source(%dma_start3A_6 : memref<131072x1024xf32, #tpu.memory_space<hbm>>) target(%arg6 : memref<16x1024xf32, #tpu.memory_space<vmem>>) offsets(%dma_start3A : memref<16xi32, #tpu.memory_space<vmem>>) semaphore(%arg10 : memref<!tpu.dma_semaphore, #tpu.memory_space<semaphore_mem>>)
    %multiple_of3A_7 = arith.constant 16 : i32
    %multiple_of3A_8 = tpu.assume_multiple %multiple_of3A_7, 8 : i32
    %dma_start3A_9 = tpu.memref_slice %arg5[%multiple_of3A_8] : memref<2048xi32, #tpu.memory_space<vmem>> -> memref<16xi32, #tpu.memory_space<vmem>>
    %dma_start3A_10 = arith.constant 0 : i32
    %dma_start3A_11 = arith.constant 0 : i32
    %dma_start3A_12 = tpu.memref_slice %arg2[%dma_start3A_10, %dma_start3A_11] : memref<131072x1024xf32, #tpu.memory_space<hbm>> -> memref<131072x1024xf32, #tpu.memory_space<hbm>>
    tpu.enqueue_indirect_dma source(%dma_start3A_12 : memref<131072x1024xf32, #tpu.memory_space<hbm>>) target(%arg7 : memref<16x1024xf32, #tpu.memory_space<vmem>>) offsets(%dma_start3A_9 : memref<16xi32, #tpu.memory_space<vmem>>) semaphore(%arg11 : memref<!tpu.dma_semaphore, #tpu.memory_space<semaphore_mem>>)
    %multiple_of3A_13 = arith.constant 32 : i32
    %multiple_of3A_14 = tpu.assume_multiple %multiple_of3A_13, 8 : i32
    %dma_start3A_15 = tpu.memref_slice %arg5[%multiple_of3A_14] : memref<2048xi32, #tpu.memory_space<vmem>> -> memref<16xi32, #tpu.memory_space<vmem>>
    %dma_start3A_16 = arith.constant 0 : i32
    %dma_start3A_17 = arith.constant 0 : i32
    %dma_start3A_18 = tpu.memref_slice %arg2[%dma_start3A_16, %dma_start3A_17] : memref<131072x1024xf32, #tpu.memory_space<hbm>> -> memref<131072x1024xf32, #tpu.memory_space<hbm>>
    tpu.enqueue_indirect_dma source(%dma_start3A_18 : memref<131072x1024xf32, #tpu.memory_space<hbm>>) target(%arg8 : memref<16x1024xf32, #tpu.memory_space<vmem>>) offsets(%dma_start3A_15 : memref<16xi32, #tpu.memory_space<vmem>>) semaphore(%arg12 : memref<!tpu.dma_semaphore, #tpu.memory_space<semaphore_mem>>)
    %multiple_of3A_19 = arith.constant 0 : i32
    %multiple_of3A_20 = tpu.assume_multiple %multiple_of3A_19, 8 : i32
    %dma_wait3A = tpu.memref_slice %arg5[%multiple_of3A_20] : memref<2048xi32, #tpu.memory_space<vmem>> -> memref<16xi32, #tpu.memory_space<vmem>>
    %dma_wait3A_21 = arith.constant 0 : i32
    %dma_wait3A_22 = arith.constant 0 : i32
    %dma_wait3A_23 = tpu.memref_slice %arg2[%dma_wait3A_21, %dma_wait3A_22] : memref<131072x1024xf32, #tpu.memory_space<hbm>> -> memref<131072x1024xf32, #tpu.memory_space<hbm>>
    tpu.wait_indirect_dma semaphore(%arg10 : memref<!tpu.dma_semaphore, #tpu.memory_space<semaphore_mem>>) src(%dma_wait3A_23 : memref<131072x1024xf32, #tpu.memory_space<hbm>>) dst(%arg6 : memref<16x1024xf32, #tpu.memory_space<vmem>>)
    %add3A_24 = arith.constant 0 : i32
    %add3A_25 = arith.addi %mul3A_2, %add3A_24 : i32
    %multiple_of3A_26 = tpu.assume_multiple %add3A_25, 8 : i32
    %dma_start3A_27 = arith.constant 0 : i32
    %dma_start3A_28 = tpu.memref_slice %arg4[%multiple_of3A_26, %dma_start3A_27] : memref<65536x1024xf32, #tpu.memory_space<hbm>> -> memref<16x1024xf32, #tpu.memory_space<hbm>>
    %dma_start3A_29 = arith.constant 0 : i32
    %dma_start3A_30 = tpu.memref_slice %arg4[%multiple_of3A_26, %dma_start3A_29] : memref<65536x1024xf32, #tpu.memory_space<hbm>> -> memref<16x1024xf32, #tpu.memory_space<hbm>>
    tpu.enqueue_dma source(%arg6 : memref<16x1024xf32, #tpu.memory_space<vmem>>) target(%dma_start3A_30 : memref<16x1024xf32, #tpu.memory_space<hbm>>) target_semaphore(%arg14 : memref<!tpu.dma_semaphore, #tpu.memory_space<semaphore_mem>>)
    %multiple_of3A_31 = arith.constant 48 : i32
    %multiple_of3A_32 = tpu.assume_multiple %multiple_of3A_31, 8 : i32
    %dma_start3A_33 = tpu.memref_slice %arg5[%multiple_of3A_32] : memref<2048xi32, #tpu.memory_space<vmem>> -> memref<16xi32, #tpu.memory_space<vmem>>
    %dma_start3A_34 = arith.constant 0 : i32
    %dma_start3A_35 = arith.constant 0 : i32
    %dma_start3A_36 = tpu.memref_slice %arg2[%dma_start3A_34, %dma_start3A_35] : memref<131072x1024xf32, #tpu.memory_space<hbm>> -> memref<131072x1024xf32, #tpu.memory_space<hbm>>
    tpu.enqueue_indirect_dma source(%dma_start3A_36 : memref<131072x1024xf32, #tpu.memory_space<hbm>>) target(%arg9 : memref<16x1024xf32, #tpu.memory_space<vmem>>) offsets(%dma_start3A_33 : memref<16xi32, #tpu.memory_space<vmem>>) semaphore(%arg13 : memref<!tpu.dma_semaphore, #tpu.memory_space<semaphore_mem>>)
    %scan3A = arith.constant 0 : i32
    %scan3A_37 = arith.constant 0 : i32
    %scan3A_38 = arith.constant 31 : i32
    %scan3A_39 = arith.addi %scan3A_37, %scan3A_38 : i32
    %scan3A_40 = arith.constant 1 : i32
    scf.for %scan3A_109 = %scan3A_37 to %scan3A_39 step %scan3A_40  : i32 {
      %mul3A_110 = arith.constant 4 : i32
      %mul3A_111 = arith.muli %mul3A_110, %scan3A_109 : i32
      %add3A_112 = arith.constant 1 : i32
      %add3A_113 = arith.addi %mul3A_111, %add3A_112 : i32
      %add3A_114 = arith.constant 0 : i32
      %add3A_115 = arith.addi %add3A_113, %add3A_114 : i32
      %mul3A_116 = arith.constant 16 : i32
      %mul3A_117 = arith.muli %add3A_115, %mul3A_116 : i32
      %multiple_of3A_118 = tpu.assume_multiple %mul3A_117, 8 : i32
      %dma_wait3A_119 = tpu.memref_slice %arg5[%multiple_of3A_118] : memref<2048xi32, #tpu.memory_space<vmem>> -> memref<16xi32, #tpu.memory_space<vmem>>
      %dma_wait3A_120 = arith.constant 0 : i32
      %dma_wait3A_121 = arith.constant 0 : i32
      %dma_wait3A_122 = tpu.memref_slice %arg2[%dma_wait3A_120, %dma_wait3A_121] : memref<131072x1024xf32, #tpu.memory_space<hbm>> -> memref<131072x1024xf32, #tpu.memory_space<hbm>>
      tpu.wait_indirect_dma semaphore(%arg11 : memref<!tpu.dma_semaphore, #tpu.memory_space<semaphore_mem>>) src(%dma_wait3A_122 : memref<131072x1024xf32, #tpu.memory_space<hbm>>) dst(%arg7 : memref<16x1024xf32, #tpu.memory_space<vmem>>)
      %mul3A_123 = arith.constant 16 : i32
      %mul3A_124 = arith.muli %add3A_115, %mul3A_123 : i32
      %add3A_125 = arith.addi %mul3A_2, %mul3A_124 : i32
      %multiple_of3A_126 = tpu.assume_multiple %add3A_125, 8 : i32
      %dma_start3A_127 = arith.constant 0 : i32
      %dma_start3A_128 = tpu.memref_slice %arg4[%multiple_of3A_126, %dma_start3A_127] : memref<65536x1024xf32, #tpu.memory_space<hbm>> -> memref<16x1024xf32, #tpu.memory_space<hbm>>
      %dma_start3A_129 = arith.constant 0 : i32
      %dma_start3A_130 = tpu.memref_slice %arg4[%multiple_of3A_126, %dma_start3A_129] : memref<65536x1024xf32, #tpu.memory_space<hbm>> -> memref<16x1024xf32, #tpu.memory_space<hbm>>
      tpu.enqueue_dma source(%arg7 : memref<16x1024xf32, #tpu.memory_space<vmem>>) target(%dma_start3A_130 : memref<16x1024xf32, #tpu.memory_space<hbm>>) target_semaphore(%arg15 : memref<!tpu.dma_semaphore, #tpu.memory_space<semaphore_mem>>)
      %sub3A = arith.constant 1 : i32
      %sub3A_131 = arith.subi %add3A_115, %sub3A : i32
      %mul3A_132 = arith.constant 16 : i32
      %mul3A_133 = arith.muli %sub3A_131, %mul3A_132 : i32
      %add3A_134 = arith.addi %mul3A_2, %mul3A_133 : i32
      %multiple_of3A_135 = tpu.assume_multiple %add3A_134, 8 : i32
      %dma_wait3A_136 = arith.constant 0 : i32
      %dma_wait3A_137 = tpu.memref_slice %arg4[%multiple_of3A_135, %dma_wait3A_136] : memref<65536x1024xf32, #tpu.memory_space<hbm>> -> memref<16x1024xf32, #tpu.memory_space<hbm>>
      %dma_wait3A_138 = arith.constant 0 : i32
      %dma_wait3A_139 = tpu.memref_slice %arg4[%multiple_of3A_135, %dma_wait3A_138] : memref<65536x1024xf32, #tpu.memory_space<hbm>> -> memref<16x1024xf32, #tpu.memory_space<hbm>>
      tpu.wait_dma2 semaphore(%arg14 : memref<!tpu.dma_semaphore, #tpu.memory_space<semaphore_mem>>) src(%arg6 : memref<16x1024xf32, #tpu.memory_space<vmem>>) dst(%dma_wait3A_139 : memref<16x1024xf32, #tpu.memory_space<hbm>>)
      %add3A_140 = arith.constant 4 : i32
      %add3A_141 = arith.addi %add3A_115, %add3A_140 : i32
      %sub3A_142 = arith.constant 1 : i32
      %sub3A_143 = arith.subi %add3A_141, %sub3A_142 : i32
      %mul3A_144 = arith.constant 16 : i32
      %mul3A_145 = arith.muli %sub3A_143, %mul3A_144 : i32
      %multiple_of3A_146 = tpu.assume_multiple %mul3A_145, 8 : i32
      %dma_start3A_147 = tpu.memref_slice %arg5[%multiple_of3A_146] : memref<2048xi32, #tpu.memory_space<vmem>> -> memref<16xi32, #tpu.memory_space<vmem>>
      %dma_start3A_148 = arith.constant 0 : i32
      %dma_start3A_149 = arith.constant 0 : i32
      %dma_start3A_150 = tpu.memref_slice %arg2[%dma_start3A_148, %dma_start3A_149] : memref<131072x1024xf32, #tpu.memory_space<hbm>> -> memref<131072x1024xf32, #tpu.memory_space<hbm>>
      tpu.enqueue_indirect_dma source(%dma_start3A_150 : memref<131072x1024xf32, #tpu.memory_space<hbm>>) target(%arg6 : memref<16x1024xf32, #tpu.memory_space<vmem>>) offsets(%dma_start3A_147 : memref<16xi32, #tpu.memory_space<vmem>>) semaphore(%arg10 : memref<!tpu.dma_semaphore, #tpu.memory_space<semaphore_mem>>)
      %mul3A_151 = arith.constant 4 : i32
      %mul3A_152 = arith.muli %mul3A_151, %scan3A_109 : i32
      %add3A_153 = arith.constant 1 : i32
      %add3A_154 = arith.addi %mul3A_152, %add3A_153 : i32
      %add3A_155 = arith.constant 1 : i32
      %add3A_156 = arith.addi %add3A_154, %add3A_155 : i32
      %mul3A_157 = arith.constant 16 : i32
      %mul3A_158 = arith.muli %add3A_156, %mul3A_157 : i32
      %multiple_of3A_159 = tpu.assume_multiple %mul3A_158, 8 : i32
      %dma_wait3A_160 = tpu.memref_slice %arg5[%multiple_of3A_159] : memref<2048xi32, #tpu.memory_space<vmem>> -> memref<16xi32, #tpu.memory_space<vmem>>
      %dma_wait3A_161 = arith.constant 0 : i32
      %dma_wait3A_162 = arith.constant 0 : i32
      %dma_wait3A_163 = tpu.memref_slice %arg2[%dma_wait3A_161, %dma_wait3A_162] : memref<131072x1024xf32, #tpu.memory_space<hbm>> -> memref<131072x1024xf32, #tpu.memory_space<hbm>>
      tpu.wait_indirect_dma semaphore(%arg12 : memref<!tpu.dma_semaphore, #tpu.memory_space<semaphore_mem>>) src(%dma_wait3A_163 : memref<131072x1024xf32, #tpu.memory_space<hbm>>) dst(%arg8 : memref<16x1024xf32, #tpu.memory_space<vmem>>)
      %mul3A_164 = arith.constant 16 : i32
      %mul3A_165 = arith.muli %add3A_156, %mul3A_164 : i32
      %add3A_166 = arith.addi %mul3A_2, %mul3A_165 : i32
      %multiple_of3A_167 = tpu.assume_multiple %add3A_166, 8 : i32
      %dma_start3A_168 = arith.constant 0 : i32
      %dma_start3A_169 = tpu.memref_slice %arg4[%multiple_of3A_167, %dma_start3A_168] : memref<65536x1024xf32, #tpu.memory_space<hbm>> -> memref<16x1024xf32, #tpu.memory_space<hbm>>
      %dma_start3A_170 = arith.constant 0 : i32
      %dma_start3A_171 = tpu.memref_slice %arg4[%multiple_of3A_167, %dma_start3A_170] : memref<65536x1024xf32, #tpu.memory_space<hbm>> -> memref<16x1024xf32, #tpu.memory_space<hbm>>
      tpu.enqueue_dma source(%arg8 : memref<16x1024xf32, #tpu.memory_space<vmem>>) target(%dma_start3A_171 : memref<16x1024xf32, #tpu.memory_space<hbm>>) target_semaphore(%arg16 : memref<!tpu.dma_semaphore, #tpu.memory_space<semaphore_mem>>)
      %sub3A_172 = arith.constant 1 : i32
      %sub3A_173 = arith.subi %add3A_156, %sub3A_172 : i32
      %mul3A_174 = arith.constant 16 : i32
      %mul3A_175 = arith.muli %sub3A_173, %mul3A_174 : i32
      %add3A_176 = arith.addi %mul3A_2, %mul3A_175 : i32
      %multiple_of3A_177 = tpu.assume_multiple %add3A_176, 8 : i32
      %dma_wait3A_178 = arith.constant 0 : i32
      %dma_wait3A_179 = tpu.memref_slice %arg4[%multiple_of3A_177, %dma_wait3A_178] : memref<65536x1024xf32, #tpu.memory_space<hbm>> -> memref<16x1024xf32, #tpu.memory_space<hbm>>
      %dma_wait3A_180 = arith.constant 0 : i32
      %dma_wait3A_181 = tpu.memref_slice %arg4[%multiple_of3A_177, %dma_wait3A_180] : memref<65536x1024xf32, #tpu.memory_space<hbm>> -> memref<16x1024xf32, #tpu.memory_space<hbm>>
      tpu.wait_dma2 semaphore(%arg15 : memref<!tpu.dma_semaphore, #tpu.memory_space<semaphore_mem>>) src(%arg7 : memref<16x1024xf32, #tpu.memory_space<vmem>>) dst(%dma_wait3A_181 : memref<16x1024xf32, #tpu.memory_space<hbm>>)
      %add3A_182 = arith.constant 4 : i32
      %add3A_183 = arith.addi %add3A_156, %add3A_182 : i32
      %sub3A_184 = arith.constant 1 : i32
      %sub3A_185 = arith.subi %add3A_183, %sub3A_184 : i32
      %mul3A_186 = arith.constant 16 : i32
      %mul3A_187 = arith.muli %sub3A_185, %mul3A_186 : i32
      %multiple_of3A_188 = tpu.assume_multiple %mul3A_187, 8 : i32
      %dma_start3A_189 = tpu.memref_slice %arg5[%multiple_of3A_188] : memref<2048xi32, #tpu.memory_space<vmem>> -> memref<16xi32, #tpu.memory_space<vmem>>
      %dma_start3A_190 = arith.constant 0 : i32
      %dma_start3A_191 = arith.constant 0 : i32
      %dma_start3A_192 = tpu.memref_slice %arg2[%dma_start3A_190, %dma_start3A_191] : memref<131072x1024xf32, #tpu.memory_space<hbm>> -> memref<131072x1024xf32, #tpu.memory_space<hbm>>
      tpu.enqueue_indirect_dma source(%dma_start3A_192 : memref<131072x1024xf32, #tpu.memory_space<hbm>>) target(%arg7 : memref<16x1024xf32, #tpu.memory_space<vmem>>) offsets(%dma_start3A_189 : memref<16xi32, #tpu.memory_space<vmem>>) semaphore(%arg11 : memref<!tpu.dma_semaphore, #tpu.memory_space<semaphore_mem>>)
      %mul3A_193 = arith.constant 4 : i32
      %mul3A_194 = arith.muli %mul3A_193, %scan3A_109 : i32
      %add3A_195 = arith.constant 1 : i32
      %add3A_196 = arith.addi %mul3A_194, %add3A_195 : i32
      %add3A_197 = arith.constant 2 : i32
      %add3A_198 = arith.addi %add3A_196, %add3A_197 : i32
      %mul3A_199 = arith.constant 16 : i32
      %mul3A_200 = arith.muli %add3A_198, %mul3A_199 : i32
      %multiple_of3A_201 = tpu.assume_multiple %mul3A_200, 8 : i32
      %dma_wait3A_202 = tpu.memref_slice %arg5[%multiple_of3A_201] : memref<2048xi32, #tpu.memory_space<vmem>> -> memref<16xi32, #tpu.memory_space<vmem>>
      %dma_wait3A_203 = arith.constant 0 : i32
      %dma_wait3A_204 = arith.constant 0 : i32
      %dma_wait3A_205 = tpu.memref_slice %arg2[%dma_wait3A_203, %dma_wait3A_204] : memref<131072x1024xf32, #tpu.memory_space<hbm>> -> memref<131072x1024xf32, #tpu.memory_space<hbm>>
      tpu.wait_indirect_dma semaphore(%arg13 : memref<!tpu.dma_semaphore, #tpu.memory_space<semaphore_mem>>) src(%dma_wait3A_205 : memref<131072x1024xf32, #tpu.memory_space<hbm>>) dst(%arg9 : memref<16x1024xf32, #tpu.memory_space<vmem>>)
      %mul3A_206 = arith.constant 16 : i32
      %mul3A_207 = arith.muli %add3A_198, %mul3A_206 : i32
      %add3A_208 = arith.addi %mul3A_2, %mul3A_207 : i32
      %multiple_of3A_209 = tpu.assume_multiple %add3A_208, 8 : i32
      %dma_start3A_210 = arith.constant 0 : i32
      %dma_start3A_211 = tpu.memref_slice %arg4[%multiple_of3A_209, %dma_start3A_210] : memref<65536x1024xf32, #tpu.memory_space<hbm>> -> memref<16x1024xf32, #tpu.memory_space<hbm>>
      %dma_start3A_212 = arith.constant 0 : i32
      %dma_start3A_213 = tpu.memref_slice %arg4[%multiple_of3A_209, %dma_start3A_212] : memref<65536x1024xf32, #tpu.memory_space<hbm>> -> memref<16x1024xf32, #tpu.memory_space<hbm>>
      tpu.enqueue_dma source(%arg9 : memref<16x1024xf32, #tpu.memory_space<vmem>>) target(%dma_start3A_213 : memref<16x1024xf32, #tpu.memory_space<hbm>>) target_semaphore(%arg17 : memref<!tpu.dma_semaphore, #tpu.memory_space<semaphore_mem>>)
      %sub3A_214 = arith.constant 1 : i32
      %sub3A_215 = arith.subi %add3A_198, %sub3A_214 : i32
      %mul3A_216 = arith.constant 16 : i32
      %mul3A_217 = arith.muli %sub3A_215, %mul3A_216 : i32
      %add3A_218 = arith.addi %mul3A_2, %mul3A_217 : i32
      %multiple_of3A_219 = tpu.assume_multiple %add3A_218, 8 : i32
      %dma_wait3A_220 = arith.constant 0 : i32
      %dma_wait3A_221 = tpu.memref_slice %arg4[%multiple_of3A_219, %dma_wait3A_220] : memref<65536x1024xf32, #tpu.memory_space<hbm>> -> memref<16x1024xf32, #tpu.memory_space<hbm>>
      %dma_wait3A_222 = arith.constant 0 : i32
      %dma_wait3A_223 = tpu.memref_slice %arg4[%multiple_of3A_219, %dma_wait3A_222] : memref<65536x1024xf32, #tpu.memory_space<hbm>> -> memref<16x1024xf32, #tpu.memory_space<hbm>>
      tpu.wait_dma2 semaphore(%arg16 : memref<!tpu.dma_semaphore, #tpu.memory_space<semaphore_mem>>) src(%arg8 : memref<16x1024xf32, #tpu.memory_space<vmem>>) dst(%dma_wait3A_223 : memref<16x1024xf32, #tpu.memory_space<hbm>>)
      %add3A_224 = arith.constant 4 : i32
      %add3A_225 = arith.addi %add3A_198, %add3A_224 : i32
      %sub3A_226 = arith.constant 1 : i32
      %sub3A_227 = arith.subi %add3A_225, %sub3A_226 : i32
      %mul3A_228 = arith.constant 16 : i32
      %mul3A_229 = arith.muli %sub3A_227, %mul3A_228 : i32
      %multiple_of3A_230 = tpu.assume_multiple %mul3A_229, 8 : i32
      %dma_start3A_231 = tpu.memref_slice %arg5[%multiple_of3A_230] : memref<2048xi32, #tpu.memory_space<vmem>> -> memref<16xi32, #tpu.memory_space<vmem>>
      %dma_start3A_232 = arith.constant 0 : i32
      %dma_start3A_233 = arith.constant 0 : i32
      %dma_start3A_234 = tpu.memref_slice %arg2[%dma_start3A_232, %dma_start3A_233] : memref<131072x1024xf32, #tpu.memory_space<hbm>> -> memref<131072x1024xf32, #tpu.memory_space<hbm>>
      tpu.enqueue_indirect_dma source(%dma_start3A_234 : memref<131072x1024xf32, #tpu.memory_space<hbm>>) target(%arg8 : memref<16x1024xf32, #tpu.memory_space<vmem>>) offsets(%dma_start3A_231 : memref<16xi32, #tpu.memory_space<vmem>>) semaphore(%arg12 : memref<!tpu.dma_semaphore, #tpu.memory_space<semaphore_mem>>)
      %mul3A_235 = arith.constant 4 : i32
      %mul3A_236 = arith.muli %mul3A_235, %scan3A_109 : i32
      %add3A_237 = arith.constant 1 : i32
      %add3A_238 = arith.addi %mul3A_236, %add3A_237 : i32
      %add3A_239 = arith.constant 3 : i32
      %add3A_240 = arith.addi %add3A_238, %add3A_239 : i32
      %mul3A_241 = arith.constant 16 : i32
      %mul3A_242 = arith.muli %add3A_240, %mul3A_241 : i32
      %multiple_of3A_243 = tpu.assume_multiple %mul3A_242, 8 : i32
      %dma_wait3A_244 = tpu.memref_slice %arg5[%multiple_of3A_243] : memref<2048xi32, #tpu.memory_space<vmem>> -> memref<16xi32, #tpu.memory_space<vmem>>
      %dma_wait3A_245 = arith.constant 0 : i32
      %dma_wait3A_246 = arith.constant 0 : i32
      %dma_wait3A_247 = tpu.memref_slice %arg2[%dma_wait3A_245, %dma_wait3A_246] : memref<131072x1024xf32, #tpu.memory_space<hbm>> -> memref<131072x1024xf32, #tpu.memory_space<hbm>>
      tpu.wait_indirect_dma semaphore(%arg10 : memref<!tpu.dma_semaphore, #tpu.memory_space<semaphore_mem>>) src(%dma_wait3A_247 : memref<131072x1024xf32, #tpu.memory_space<hbm>>) dst(%arg6 : memref<16x1024xf32, #tpu.memory_space<vmem>>)
      %mul3A_248 = arith.constant 16 : i32
      %mul3A_249 = arith.muli %add3A_240, %mul3A_248 : i32
      %add3A_250 = arith.addi %mul3A_2, %mul3A_249 : i32
      %multiple_of3A_251 = tpu.assume_multiple %add3A_250, 8 : i32
      %dma_start3A_252 = arith.constant 0 : i32
      %dma_start3A_253 = tpu.memref_slice %arg4[%multiple_of3A_251, %dma_start3A_252] : memref<65536x1024xf32, #tpu.memory_space<hbm>> -> memref<16x1024xf32, #tpu.memory_space<hbm>>
      %dma_start3A_254 = arith.constant 0 : i32
      %dma_start3A_255 = tpu.memref_slice %arg4[%multiple_of3A_251, %dma_start3A_254] : memref<65536x1024xf32, #tpu.memory_space<hbm>> -> memref<16x1024xf32, #tpu.memory_space<hbm>>
      tpu.enqueue_dma source(%arg6 : memref<16x1024xf32, #tpu.memory_space<vmem>>) target(%dma_start3A_255 : memref<16x1024xf32, #tpu.memory_space<hbm>>) target_semaphore(%arg14 : memref<!tpu.dma_semaphore, #tpu.memory_space<semaphore_mem>>)
      %sub3A_256 = arith.constant 1 : i32
      %sub3A_257 = arith.subi %add3A_240, %sub3A_256 : i32
      %mul3A_258 = arith.constant 16 : i32
      %mul3A_259 = arith.muli %sub3A_257, %mul3A_258 : i32
      %add3A_260 = arith.addi %mul3A_2, %mul3A_259 : i32
      %multiple_of3A_261 = tpu.assume_multiple %add3A_260, 8 : i32
      %dma_wait3A_262 = arith.constant 0 : i32
      %dma_wait3A_263 = tpu.memref_slice %arg4[%multiple_of3A_261, %dma_wait3A_262] : memref<65536x1024xf32, #tpu.memory_space<hbm>> -> memref<16x1024xf32, #tpu.memory_space<hbm>>
      %dma_wait3A_264 = arith.constant 0 : i32
      %dma_wait3A_265 = tpu.memref_slice %arg4[%multiple_of3A_261, %dma_wait3A_264] : memref<65536x1024xf32, #tpu.memory_space<hbm>> -> memref<16x1024xf32, #tpu.memory_space<hbm>>
      tpu.wait_dma2 semaphore(%arg17 : memref<!tpu.dma_semaphore, #tpu.memory_space<semaphore_mem>>) src(%arg9 : memref<16x1024xf32, #tpu.memory_space<vmem>>) dst(%dma_wait3A_265 : memref<16x1024xf32, #tpu.memory_space<hbm>>)
      %add3A_266 = arith.constant 4 : i32
      %add3A_267 = arith.addi %add3A_240, %add3A_266 : i32
      %sub3A_268 = arith.constant 1 : i32
      %sub3A_269 = arith.subi %add3A_267, %sub3A_268 : i32
      %mul3A_270 = arith.constant 16 : i32
      %mul3A_271 = arith.muli %sub3A_269, %mul3A_270 : i32
      %multiple_of3A_272 = tpu.assume_multiple %mul3A_271, 8 : i32
      %dma_start3A_273 = tpu.memref_slice %arg5[%multiple_of3A_272] : memref<2048xi32, #tpu.memory_space<vmem>> -> memref<16xi32, #tpu.memory_space<vmem>>
      %dma_start3A_274 = arith.constant 0 : i32
      %dma_start3A_275 = arith.constant 0 : i32
      %dma_start3A_276 = tpu.memref_slice %arg2[%dma_start3A_274, %dma_start3A_275] : memref<131072x1024xf32, #tpu.memory_space<hbm>> -> memref<131072x1024xf32, #tpu.memory_space<hbm>>
      tpu.enqueue_indirect_dma source(%dma_start3A_276 : memref<131072x1024xf32, #tpu.memory_space<hbm>>) target(%arg9 : memref<16x1024xf32, #tpu.memory_space<vmem>>) offsets(%dma_start3A_273 : memref<16xi32, #tpu.memory_space<vmem>>) semaphore(%arg13 : memref<!tpu.dma_semaphore, #tpu.memory_space<semaphore_mem>>)
    }
    %scan3A_41 = arith.constant 31 : i32
    %multiple_of3A_42 = arith.constant 2000 : i32
    %multiple_of3A_43 = tpu.assume_multiple %multiple_of3A_42, 8 : i32
    %dma_wait3A_44 = tpu.memref_slice %arg5[%multiple_of3A_43] : memref<2048xi32, #tpu.memory_space<vmem>> -> memref<16xi32, #tpu.memory_space<vmem>>
    %dma_wait3A_45 = arith.constant 0 : i32
    %dma_wait3A_46 = arith.constant 0 : i32
    %dma_wait3A_47 = tpu.memref_slice %arg2[%dma_wait3A_45, %dma_wait3A_46] : memref<131072x1024xf32, #tpu.memory_space<hbm>> -> memref<131072x1024xf32, #tpu.memory_space<hbm>>
    tpu.wait_indirect_dma semaphore(%arg11 : memref<!tpu.dma_semaphore, #tpu.memory_space<semaphore_mem>>) src(%dma_wait3A_47 : memref<131072x1024xf32, #tpu.memory_space<hbm>>) dst(%arg7 : memref<16x1024xf32, #tpu.memory_space<vmem>>)
    %add3A_48 = arith.constant 2000 : i32
    %add3A_49 = arith.addi %mul3A_2, %add3A_48 : i32
    %multiple_of3A_50 = tpu.assume_multiple %add3A_49, 8 : i32
    %dma_start3A_51 = arith.constant 0 : i32
    %dma_start3A_52 = tpu.memref_slice %arg4[%multiple_of3A_50, %dma_start3A_51] : memref<65536x1024xf32, #tpu.memory_space<hbm>> -> memref<16x1024xf32, #tpu.memory_space<hbm>>
    %dma_start3A_53 = arith.constant 0 : i32
    %dma_start3A_54 = tpu.memref_slice %arg4[%multiple_of3A_50, %dma_start3A_53] : memref<65536x1024xf32, #tpu.memory_space<hbm>> -> memref<16x1024xf32, #tpu.memory_space<hbm>>
    tpu.enqueue_dma source(%arg7 : memref<16x1024xf32, #tpu.memory_space<vmem>>) target(%dma_start3A_54 : memref<16x1024xf32, #tpu.memory_space<hbm>>) target_semaphore(%arg15 : memref<!tpu.dma_semaphore, #tpu.memory_space<semaphore_mem>>)
    %add3A_55 = arith.constant 1984 : i32
    %add3A_56 = arith.addi %mul3A_2, %add3A_55 : i32
    %multiple_of3A_57 = tpu.assume_multiple %add3A_56, 8 : i32
    %dma_wait3A_58 = arith.constant 0 : i32
    %dma_wait3A_59 = tpu.memref_slice %arg4[%multiple_of3A_57, %dma_wait3A_58] : memref<65536x1024xf32, #tpu.memory_space<hbm>> -> memref<16x1024xf32, #tpu.memory_space<hbm>>
    %dma_wait3A_60 = arith.constant 0 : i32
    %dma_wait3A_61 = tpu.memref_slice %arg4[%multiple_of3A_57, %dma_wait3A_60] : memref<65536x1024xf32, #tpu.memory_space<hbm>> -> memref<16x1024xf32, #tpu.memory_space<hbm>>
    tpu.wait_dma2 semaphore(%arg14 : memref<!tpu.dma_semaphore, #tpu.memory_space<semaphore_mem>>) src(%arg6 : memref<16x1024xf32, #tpu.memory_space<vmem>>) dst(%dma_wait3A_61 : memref<16x1024xf32, #tpu.memory_space<hbm>>)
    %multiple_of3A_62 = arith.constant 2016 : i32
    %multiple_of3A_63 = tpu.assume_multiple %multiple_of3A_62, 8 : i32
    %dma_wait3A_64 = tpu.memref_slice %arg5[%multiple_of3A_63] : memref<2048xi32, #tpu.memory_space<vmem>> -> memref<16xi32, #tpu.memory_space<vmem>>
    %dma_wait3A_65 = arith.constant 0 : i32
    %dma_wait3A_66 = arith.constant 0 : i32
    %dma_wait3A_67 = tpu.memref_slice %arg2[%dma_wait3A_65, %dma_wait3A_66] : memref<131072x1024xf32, #tpu.memory_space<hbm>> -> memref<131072x1024xf32, #tpu.memory_space<hbm>>
    tpu.wait_indirect_dma semaphore(%arg12 : memref<!tpu.dma_semaphore, #tpu.memory_space<semaphore_mem>>) src(%dma_wait3A_67 : memref<131072x1024xf32, #tpu.memory_space<hbm>>) dst(%arg8 : memref<16x1024xf32, #tpu.memory_space<vmem>>)
    %add3A_68 = arith.constant 2016 : i32
    %add3A_69 = arith.addi %mul3A_2, %add3A_68 : i32
    %multiple_of3A_70 = tpu.assume_multiple %add3A_69, 8 : i32
    %dma_start3A_71 = arith.constant 0 : i32
    %dma_start3A_72 = tpu.memref_slice %arg4[%multiple_of3A_70, %dma_start3A_71] : memref<65536x1024xf32, #tpu.memory_space<hbm>> -> memref<16x1024xf32, #tpu.memory_space<hbm>>
    %dma_start3A_73 = arith.constant 0 : i32
    %dma_start3A_74 = tpu.memref_slice %arg4[%multiple_of3A_70, %dma_start3A_73] : memref<65536x1024xf32, #tpu.memory_space<hbm>> -> memref<16x1024xf32, #tpu.memory_space<hbm>>
    tpu.enqueue_dma source(%arg8 : memref<16x1024xf32, #tpu.memory_space<vmem>>) target(%dma_start3A_74 : memref<16x1024xf32, #tpu.memory_space<hbm>>) target_semaphore(%arg16 : memref<!tpu.dma_semaphore, #tpu.memory_space<semaphore_mem>>)
    %add3A_75 = arith.constant 2000 : i32
    %add3A_76 = arith.addi %mul3A_2, %add3A_75 : i32
    %multiple_of3A_77 = tpu.assume_multiple %add3A_76, 8 : i32
    %dma_wait3A_78 = arith.constant 0 : i32
    %dma_wait3A_79 = tpu.memref_slice %arg4[%multiple_of3A_77, %dma_wait3A_78] : memref<65536x1024xf32, #tpu.memory_space<hbm>> -> memref<16x1024xf32, #tpu.memory_space<hbm>>
    %dma_wait3A_80 = arith.constant 0 : i32
    %dma_wait3A_81 = tpu.memref_slice %arg4[%multiple_of3A_77, %dma_wait3A_80] : memref<65536x1024xf32, #tpu.memory_space<hbm>> -> memref<16x1024xf32, #tpu.memory_space<hbm>>
    tpu.wait_dma2 semaphore(%arg15 : memref<!tpu.dma_semaphore, #tpu.memory_space<semaphore_mem>>) src(%arg7 : memref<16x1024xf32, #tpu.memory_space<vmem>>) dst(%dma_wait3A_81 : memref<16x1024xf32, #tpu.memory_space<hbm>>)
    %multiple_of3A_82 = arith.constant 2032 : i32
    %multiple_of3A_83 = tpu.assume_multiple %multiple_of3A_82, 8 : i32
    %dma_wait3A_84 = tpu.memref_slice %arg5[%multiple_of3A_83] : memref<2048xi32, #tpu.memory_space<vmem>> -> memref<16xi32, #tpu.memory_space<vmem>>
    %dma_wait3A_85 = arith.constant 0 : i32
    %dma_wait3A_86 = arith.constant 0 : i32
    %dma_wait3A_87 = tpu.memref_slice %arg2[%dma_wait3A_85, %dma_wait3A_86] : memref<131072x1024xf32, #tpu.memory_space<hbm>> -> memref<131072x1024xf32, #tpu.memory_space<hbm>>
    tpu.wait_indirect_dma semaphore(%arg13 : memref<!tpu.dma_semaphore, #tpu.memory_space<semaphore_mem>>) src(%dma_wait3A_87 : memref<131072x1024xf32, #tpu.memory_space<hbm>>) dst(%arg9 : memref<16x1024xf32, #tpu.memory_space<vmem>>)
    %add3A_88 = arith.constant 2032 : i32
    %add3A_89 = arith.addi %mul3A_2, %add3A_88 : i32
    %multiple_of3A_90 = tpu.assume_multiple %add3A_89, 8 : i32
    %dma_start3A_91 = arith.constant 0 : i32
    %dma_start3A_92 = tpu.memref_slice %arg4[%multiple_of3A_90, %dma_start3A_91] : memref<65536x1024xf32, #tpu.memory_space<hbm>> -> memref<16x1024xf32, #tpu.memory_space<hbm>>
    %dma_start3A_93 = arith.constant 0 : i32
    %dma_start3A_94 = tpu.memref_slice %arg4[%multiple_of3A_90, %dma_start3A_93] : memref<65536x1024xf32, #tpu.memory_space<hbm>> -> memref<16x1024xf32, #tpu.memory_space<hbm>>
    tpu.enqueue_dma source(%arg9 : memref<16x1024xf32, #tpu.memory_space<vmem>>) target(%dma_start3A_94 : memref<16x1024xf32, #tpu.memory_space<hbm>>) target_semaphore(%arg17 : memref<!tpu.dma_semaphore, #tpu.memory_space<semaphore_mem>>)
    %add3A_95 = arith.constant 2016 : i32
    %add3A_96 = arith.addi %mul3A_2, %add3A_95 : i32
    %multiple_of3A_97 = tpu.assume_multiple %add3A_96, 8 : i32
    %dma_wait3A_98 = arith.constant 0 : i32
    %dma_wait3A_99 = tpu.memref_slice %arg4[%multiple_of3A_97, %dma_wait3A_98] : memref<65536x1024xf32, #tpu.memory_space<hbm>> -> memref<16x1024xf32, #tpu.memory_space<hbm>>
    %dma_wait3A_100 = arith.constant 0 : i32
    %dma_wait3A_101 = tpu.memref_slice %arg4[%multiple_of3A_97, %dma_wait3A_100] : memref<65536x1024xf32, #tpu.memory_space<hbm>> -> memref<16x1024xf32, #tpu.memory_space<hbm>>
    tpu.wait_dma2 semaphore(%arg16 : memref<!tpu.dma_semaphore, #tpu.memory_space<semaphore_mem>>) src(%arg8 : memref<16x1024xf32, #tpu.memory_space<vmem>>) dst(%dma_wait3A_101 : memref<16x1024xf32, #tpu.memory_space<hbm>>)
    %add3A_102 = arith.constant 2032 : i32
    %add3A_103 = arith.addi %mul3A_2, %add3A_102 : i32
    %multiple_of3A_104 = tpu.assume_multiple %add3A_103, 8 : i32
    %dma_wait3A_105 = arith.constant 0 : i32
    %dma_wait3A_106 = tpu.memref_slice %arg4[%multiple_of3A_104, %dma_wait3A_105] : memref<65536x1024xf32, #tpu.memory_space<hbm>> -> memref<16x1024xf32, #tpu.memory_space<hbm>>
    %dma_wait3A_107 = arith.constant 0 : i32
    %dma_wait3A_108 = tpu.memref_slice %arg4[%multiple_of3A_104, %dma_wait3A_107] : memref<65536x1024xf32, #tpu.memory_space<hbm>> -> memref<16x1024xf32, #tpu.memory_space<hbm>>
    tpu.wait_dma2 semaphore(%arg17 : memref<!tpu.dma_semaphore, #tpu.memory_space<semaphore_mem>>) src(%arg9 : memref<16x1024xf32, #tpu.memory_space<vmem>>) dst(%dma_wait3A_108 : memref<16x1024xf32, #tpu.memory_space<hbm>>)
    return
  }
}

</mosaic_0001>

<sc_bundles>
// kernel: kernel.3.cloned.1.call-start
scs
__scs_entry_jumppad:
0x0: {  	(pc) =	sbr.rel $0x88, $3  }
0x1: {  	(tag) =	ssettag $0x0;
	lr =	simm.s32 $0x1  }
0x2: {  	[smem:$0x3FA0] =	sst lr;
	_ =	strace $0xD0000000  }
0x3: {  	_ = 	snop  }
0x4: {  	_ = 	snop  }
0x5: {  	_ = 	snop  }
0x6: {  	_ = 	snop  }
0x7: {  	_ = 	snop  }
__scs_overlays_trampoline_lowered:
0x8: {  	[smem:$0x3FAF] =	sst s0  }
0x9: {  	[smem:$0x3FB0] =	sst s1  }
0xa: {  	[smem:$0x3FB1] =	sst s2  }
0xb: {  	[smem:$0x3FB2] =	sst s3  }
0xc: {  	[smem:$0x3FB3] =	sst s4  }
0xd: {  	[smem:$0x3FB4] =	sst s5  }
0xe: {  	[smem:$0x3FB5] =	sst s6  }
0xf: {  	[smem:$0x3FB6] =	sst s7  }
0x10: {  	[smem:$0x3FB7] =	sst s8  }
0x11: {  	[smem:$0x3FB8] =	sst s9;
	s0 =	simm.s32 @!p0 $0x0  }
0x12: {  	s1 =	sld [smem:$0x3F9E];
	s0 =	simm.s32 @p0 $0x1  }
0x13: {  	[smem:$0x3FB9] =	sst s0;
	s0 =	simm.s32 @!p1 $0x0  }
0x14: {  	s2 =	sld [smem:$0x3F9D];
	s0 =	simm.s32 @p1 $0x1  }
0x15: {  	[smem:$0x3FBA] =	sst s0;
	s0 =	simm.s32 @!p2 $0x0  }
0x16: {  	s3 =	sld [smem:$0x3FDB];
	s0 =	simm.s32 @p2 $0x1  }
0x17: {  	s4 =	simm.s32 $0x1BF5;
	[smem:$0x3FBC] =	sst s0  }
0x18: {  	s0 =	sld [smem:$0x3F9F];
	_ =	swait.ge [sflag:s4], $0x0  }
0x19: {  	s7 =	sld [smem:$0x3FA0]  }
0x1a: {  	s8 =	sadd.s32 $0xFFFFE003, lr  }
0x1b: {  	s9 =	sadd.s32 $0xFFFFFEF7, lr;
	s5 =	simm.s32 $0xFFFFFFFF;
	p2 =	slt.u32 s8, $0xFFFFF086  }
0x1c: {  	p1 =	slt.u32 s9, $0xF7A;
	s5 =	simm.s32 @!p2 $0x0  }
0x1d: {  	s5 =	simm.s32 @p1 $0x1;
	p0 =	seq.s32 s7, s2  }
0x1e: {  	s7 =	smul.u32 @!p0 $0xF7A, s2;
	p2 =	seq.s32 @!p0 s5, $0x0  }
0x1f: {  	s9 =	smul.u32 $0xF7A, s1;
	s8 =	simm.s32 @!p0 $0x1BF5;
	p2 =	por !p2, p0  }
0x20: {  	[sflag:s8] =	ssyncset.s32 @!p0 $0xFFFFF086;
	s6 =	sadd.s32 @!p0 s3, s7;
	s7 =	simm.s32 @!p0 $0x108  }
0x21: {  	s3 =	sadd.s32 s3, s9;
	s6 =	sadd.s32 @!p0 $0x88, s6;
	s7 =	simm.s32 @p2 $0x1082  }
0x22: {  	[simem:s7], [sflag:s8] =	dma.local @!p0 [hbm:s6], $0xF7A  }
0x23: {  	s9 =	sor.u32 $0xD0000000, s2;
	s6 =	simm.s32 $0x108;
	_ =	swait.ge @!p0 [sflag:s8], $0x0  }
0x24: {  	s3 =	sadd.s32 $0x88, s3;
	s6 =	simm.s32 @!p1 $0x1082;
	[sflag:s4] =	ssyncset.s32 $0xFFFFF086  }
0x25: {  	[simem:s6], [sflag:s4] =	dma.local [hbm:s3], $0xF7A  }
0x26: {  	[smem:$0x3FA0] =	sst s1;
	(tag) =	ssettag s2;
	_ =	strace s9  }
0x27: {  	s1 =	sld [smem:$0x3FB0]  }
0x28: {  	s2 =	sld [smem:$0x3FB1]  }
0x29: {  	s4 =	sld [smem:$0x3FB3]  }
0x2a: {  	p0 =	seq.s32 s5, $0x0;
	s5 =	sld [smem:$0x3FB4]  }
0x2b: {  	s6 =	sld [smem:$0x3FB5]  }
0x2c: {  	s7 =	sld [smem:$0x3FB6]  }
0x2d: {  	s3 =	simm.s32 $0x108;
	s8 =	sld [smem:$0x3FB7]  }
0x2e: {  	s3 =	simm.s32 @!p0 $0x1082;
	s9 =	sld [smem:$0x3FB8]  }
0x2f: {  	lr =	sadd.s32 s0, s3;
	s0 =	sld [smem:$0x3FAF]  }
0x30: {  	s3 =	sld [smem:$0x3FB2]  }
0x31: {  	[smem:$0x3FBB] =	sst s10  }
0x32: {  	s10 =	sld [smem:$0x3FB9];
	_ =	sdelay $0x3  }
0x33: {  	p0 =	seq.s32 s10, $0x1;
	s10 =	sld [smem:$0x3FBB];
	_ =	sdelay $0x3  }
0x34: {  	[smem:$0x3FBB] =	sst s10  }
0x35: {  	s10 =	sld [smem:$0x3FBA];
	_ =	sdelay $0x3  }
0x36: {  	p1 =	seq.s32 s10, $0x1;
	s10 =	sld [smem:$0x3FBB];
	_ =	sdelay $0x3  }
0x37: {  	[smem:$0x3FBB] =	sst s10  }
0x38: {  	s10 =	sld [smem:$0x3FBC]  }
0x39: {  	_ = 	snop;
	(pc) =	sbr.ind lr, $3  }
0x3a: {  	_ = 	snop  }
0x3b: {  	_ = 	snop  }
0x3c: {  	p2 =	seq.s32 s10, $0x1;
	s10 =	sld [smem:$0x3FBB]  }
0x3d: {  	_ =	shalt  }
0x3e: {  	_ =	shalt  }
0x3f: {  	_ =	shalt  }
0x40: {  	_ =	shalt  }
0x41: {  	_ =	shalt  }
0x42: {  	_ =	shalt  }
0x43: {  	_ =	shalt  }
0x44: {  	_ =	shalt  }
0x45: {  	_ =	shalt  }
0x46: {  	_ =	shalt  }
0x47: {  	_ =	shalt  }
0x48: {  	_ =	shalt  }
0x49: {  	_ =	shalt  }
0x4a: {  	_ =	shalt  }
0x4b: {  	_ =	shalt  }
0x4c: {  	_ =	shalt  }
0x4d: {  	_ =	shalt  }
0x4e: {  	_ =	shalt  }
0x4f: {  	_ =	shalt  }
0x50: {  	_ =	shalt  }
0x51: {  	_ =	shalt  }
0x52: {  	_ =	shalt  }
0x53: {  	_ =	shalt  }
0x54: {  	_ =	shalt  }
0x55: {  	_ =	shalt  }
0x56: {  	_ =	shalt  }
0x57: {  	_ =	shalt  }
0x58: {  	_ =	shalt  }
0x59: {  	_ =	shalt  }
0x5a: {  	_ =	shalt  }
0x5b: {  	_ =	shalt  }
0x5c: {  	_ =	shalt  }
0x5d: {  	_ =	shalt  }
0x5e: {  	_ =	shalt  }
0x5f: {  	_ =	shalt  }
0x60: {  	_ =	shalt  }
0x61: {  	_ =	shalt  }
0x62: {  	_ =	shalt  }
0x63: {  	_ =	shalt  }
0x64: {  	_ =	shalt  }
0x65: {  	_ =	shalt  }
0x66: {  	_ =	shalt  }
0x67: {  	_ =	shalt  }
0x68: {  	_ =	shalt  }
0x69: {  	_ =	shalt  }
0x6a: {  	_ =	shalt  }
0x6b: {  	_ =	shalt  }
0x6c: {  	_ =	shalt  }
0x6d: {  	_ =	shalt  }
0x6e: {  	_ =	shalt  }
0x6f: {  	_ =	shalt  }
0x70: {  	_ =	shalt  }
0x71: {  	_ =	shalt  }
0x72: {  	_ =	shalt  }
0x73: {  	_ =	shalt  }
0x74: {  	_ =	shalt  }
0x75: {  	_ =	shalt  }
0x76: {  	_ =	shalt  }
0x77: {  	_ =	shalt  }
0x78: {  	_ =	shalt  }
0x79: {  	_ =	shalt  }
0x7a: {  	_ =	shalt  }
0x7b: {  	_ =	shalt  }
0x7c: {  	_ =	shalt  }
0x7d: {  	_ =	shalt  }
0x7e: {  	_ =	shalt  }
0x7f: {  	_ =	shalt  }
0x80: {  	_ =	shalt  }
0x81: {  	_ =	shalt  }
0x82: {  	_ =	shalt  }
0x83: {  	_ =	shalt  }
0x84: {  	_ =	shalt  }
0x85: {  	_ =	shalt  }
0x86: {  	_ =	shalt  }
0x87: {  	_ =	shalt  }
.Lfunc_end0:
.L_simem_size_0:
called_computation_lowered:
.L_overlay_start_0:
0x88: {  	s2 =	sld [smem:$0x3FD9]  }
0x89: {  	s3 =	sld [smem:$0x3FFE];
	_ =	sdelay $0x1  }
0x8a: {  	s1 =	srdreg.scid  }
0x8b: {  	s0 =	sand.u32 $0x1, s1  }
0x8c: {  	s17 =	sshll.u32 s0, $0xA;
	s2 =	sadd.s32 s3, s2  }
0x8d: {  	s2 =	sadd.s32 s2, s17  }
0x8e: {  	[smem:$0x3FC7] =	sst s2  }
0x8f: {  	_ = 	snop  }
0x90: {  	s2 =	sld [smem:$0x3FC9]  }
0x91: {  	s18 =	sld [smem:$0x3FD0];
	(tm) =	ssettm $0x1  }
0x92: {  	s4 =	sld [smem:$0x3FFB];
	_ =	sdelay $0x3  }
0x93: {  	_ =	strace s4  }
0x94: {  	s4 =	sld [smem:$0x3FFC];
	_ =	sdelay $0x3  }
0x95: {  	_ =	strace s4  }
0x96: {  	s4 =	sld [smem:$0x3FFD];
	_ =	sdelay $0x3  }
0x97: {  	_ =	strace s4  }
0x98: {  	_ =	strace $0x8FFFFFFF  }
0x99: {  	s19 =	sld [smem:$0x3FDB];
	_ =	sdelay $0x1  }
0x9a: {  	s5 =	simm.s32 $_scs_section_size  }
0x9b: {  	s6 =	simm.s32 $_size__tile_overlayer_lowered;
	s7 =	simm.s32 $_tile_overlayer_lowered  }
0x9c: {  	s22 =	simm.s32 $0x1BFF;
	s21 =	sshll.u32 s7, $0x1;
	s4 =	sadd.s32 s5, s19  }
0x9d: {  	s8 =	simm.s32 $0x0;
	s20 =	sshll.u32 s6, $0x1;
	s6 =	sadd.s32 s21, s4  }
0x9e: {  	[timem:s8], [sflag:s22] =	dma.local [hbm:s6], s20  }
0x9f: {  	_ =	swait.ge [sflag:s22], s20  }
0xa0: {  	s5 =	ssub.s32 $0x0, s20;
	[sflag:s22] =	ssyncset.done $0x0  }
0xa1: {  	[sflag:s22] =	ssyncadd.s32 s5;
	_ =	sdelay $0x1  }
0xa2: {  	s23 =	simm.s32 $0x1B8B  }
0xa3: {  	_ =	swait.ge [sflag:s23], $0x1  }
0xa4: {  	[sflag:s23] =	ssyncset.done $0x0  }
0xa5: {  	s25 =	simm.s32 $0x1B8E;
	s24 =	sld [smem:$0x3FFE];
	[sflag:s23] =	ssyncadd.s32 $0xFFFFFFFF  }
0xa6: {  	s26 =	simm.s32 $execute0_lowered;
	[smem:$0x3FD2] =	sst s25  }
0xa7: {  	s6 =	sshll.u32 s26, $0x1;
	_ =	strace $0x80000046;
	[dreg:$0x1] =	wrdreg $0xFFFFFFFF  }
0xa8: {  	s28 =	simm.s32 $_size_execute0_lowered;
	s4 =	sadd.s32 s4, s6;
	[dreg:$0x0] =	wrdreg $0x0  }
0xa9: {  	s6 =	sshll.u32 s28, $0x1;
	[dreg:$0x2] =	wrdreg s4  }
0xaa: {  	[dreg:$0x3] =	wrdreg s6  }
0xab: {  	[dreg:$0x4] =	wrdreg $0xC0  }
0xac: {  	_ =	task [dreg:s8], $0x5FFFF  }
0xad: {  	[dreg:$0x1] =	wrdreg $0xFFFFFFFF  }
0xae: {  	[dreg:$0x0] =	wrdreg $0x60  }
0xaf: {  	[dreg:$0x2] =	wrdreg s2  }
0xb0: {  	[dreg:$0x3] =	wrdreg s24  }
0xb1: {  	[dreg:$0x4] =	wrdreg s18  }
0xb2: {  	[dreg:$0x5] =	wrdreg $0x9  }
0xb3: {  	_ =	task.clear_ibuf [dreg:s8], $0x6FFFF;
	_ =	strace $0x90000046  }
0xb4: {  	s29 =	simm.s32 $0x9;
	_ =	strace $0x80000048  }
0xb5: {  	_ =	swait.ge [sflag:s29], $0x1  }
0xb6: {  	[sflag:s29] =	ssyncadd.s32 $0xFFFFFFFF  }
0xb7: {  	_ =	strace $0x90000048  }
0xb8: {  	_ =	sfence  }
0xb9: {  	s30 =	sld [smem:$0x0];
	_ =	sdelay $0x2  }
0xba: {  	s31 =	sshll.u32 s1, $0xD;
	s1 =	sshrl.u32 s1, $0x2  }
0xbb: {  	s3 =	sand.u32 $0x4000, s31;
	s1 =	sadd.s32 s1, s30  }
0xbc: {  	s0 =	sor.u32 s3, s0;
	s1 =	sshll.u32 s1, $0x11  }
0xbd: {  	s0 =	sor.u32 s1, s0  }
0xbe: {  	s0 =	sadd.s32 $0x8F2B, s0  }
0xbf: {  	[sflag:s0] =	ssyncadd.remote.s32 $0x1  }
0xc0: {  	_ =	sfence.sel $0xFFFF  }
0xc1: {  	[dreg:$0x0] =	wrdreg $0xFFFFFFFF;
	(pc) =	sbr.abs _section_cstart, $3  }
0xc2: {  	[dreg:$0x1] =	wrdreg $0xFFFFFFFF  }
0xc3: {  	_ =	task.clear_ibuf [dreg:s8], $0x2FFFF;
	_ =	strace $0x9FFFFFFF  }
0xc4: {  	(tm) =	ssettm $0x7FFFFFFF  }
0xc5: {  	_ =	shalt  }
tec
execute0_lowered:
.L_overlay_start_1:
0x0: {  	(tag) =	ssettag $0x1  }
0x1: {  	s2 =	rddreg [dreg:$0x0]  }
0x2: {  	s0 =	rddreg [dreg:$0x1];
	s1 =	srdreg.scid  }
0x3: {  	s4 =	rddreg [dreg:$0x2];
	s10 =	stileid.u32  }
0x4: {  	s3 =	simm.s32 $0x0;
	s11 =	simm.s32 $0x3000;
	s12 =	simm.s32 $0x3800  }
0x5: {  	s15 =	simm.s32 $0x4000;
	s31 =	simm.s32 $0x4800;
	s16 =	simm.s32 $0x5000  }
0x6: {  	s17 =	simm.s32 $0x5800;
	s14 =	simm.s32 $0x6800;
	s13 =	simm.s32 $0xC800  }
0x7: {  	s28 =	simm.s32 $0x4;
	s29 =	simm.s32 $0x7;
	s30 =	simm.s32 $0x8  }
0x8: {  	s1 =	sand.u32 $0x1, s1;
	s5 =	sshll.u32 s10, $0xC;
	[smem:$0x7FF] =	sst s3  }
0x9: {  	s20 =	sshll.u32 s10, $0x13;
	s10 =	simm.s32 $0x2800;
	s6 =	sshll.u32 s1, $0xB  }
0xa: {  	s18 =	ssub.s32 $0x2, s1;
	_ =	strace $0x80000047;
	s22 =	sadd.s32 s20, s4  }
0xb: {  	s1 =	sshll.u32 s1, $0x12;
	s20 =	simm.s32 $0x7000;
	s8 =	sor.u32 s6, s5  }
0xc: {  	s7 =	sshrl.u32 s18, $0x1;
	s5 =	sadd.s32 $0x100, s2;
	s6 =	sshrl.u32 s8, $0x3  }
0xd: {  	s9 =	ssub.s32 s18, s7;
	s7 =	sadd.s32 $0x300, s2;
	s19 =	sshll.u32 s8, $0x7  }
0xe: {  	s18 =	simm.s32 $0x6000;
	s8 =	simm.s32 $0x1;
	s0 =	sadd.s32 s6, s0  }
0xf: {  	s6 =	sadd.s32 $0x200, s2;
	s21 =	sadd.s32 s4, s19;
	s26 =	smax.u32 s9, $0x1  }
0x10: {  	s19 =	simm.s32 $0x800;
	s4 =	simm.s32 $0x1800;
	[dreg:$0x6] =	wrdreg s21  }
0x11: {  	s9 =	simm.s32 $0x8800;
	s0 =	sadd.s32 $0x400, s0;
	[dreg:$0xa] =	wrdreg s26  }
0x12: {  	s23 =	sadd.s32 $0x3E800, s21;
	s24 =	sadd.s32 $0x3F000, s21;
	[dreg:$0x5] =	wrdreg s0  }
0x13: {  	s25 =	sadd.s32 $0x3F800, s21;
	s21 =	simm.s32 $0x2000;
	[dreg:$0x7] =	wrdreg s23  }
0x14: {  	s26 =	simm.s32 $0x6;
	[dreg:$0x8] =	wrdreg s24;
	s0 =	sadd.s32 s1, s22  }
0x15: {  	v2 =	vlaneseq.u32;
	[dreg:$0x9] =	wrdreg s25;
	s1 =	simm.s32 $0x1000;
	s22 =	simm.s32 $0x7800  }
0x16: {  	vm0 =	vmmov $0xffff;
	v1 =	vshrl.u32 v2, $0x3;
	s23 =	simm.s32 $0x2;
	[dreg:$0x4] =	wrdreg s0;
	s0 =	simm.s32 $0x0  }
0x17: {  	v0 =	vand.u32 $0x7, v2;
	v2 =	vor.u32 $0x8, v2;
	v1 =	vmul.u32 $0x8, v1;
	s24 =	simm.s32 $0x5;
	s25 =	simm.s32 $0x3;
	[dreg:$0xb] =	wrdreg s0  }
.LBB2_1:
0x18: {  	s0 =	rddreg [dreg:$0x5]  }
0x19: {  	[tilespmem:s3], [sflag:$0x9] =	stream.linear.gather [hbm4b:s0+s3], $0x800, $0x38;
	[tilespmem:$0x10800] =	vst v63  }
0x1a: {  	s0 =	simm.s32 $0x9  }
0x1b: {  	_ =	swait.ge [sflag:s0], $0x800  }
0x1c: {  	[sflag:s0] =	ssyncset.done $0x0  }
0x1d: {  	[sflag:s0] =	ssyncadd.s32 $0xFFFFF800  }
0x1e: {  	v3 =	vld [tilespmem:$0x0];
	_ =	sdelay $0x4  }
0x1f: {  	v4 =	vshll.u32 v3, $0x3  }
0x20: {  	v3 =	vand.u32 $0x7, v3;
	v4 =	vand.u32 $0xFFFFFFC0, v4  }
0x21: {  	v3 =	vor.u32 v3, v4  }
0x22: {  	v4 =	vperm.xlane v3, v0;
	_ =	sdelay $0x1  }
0x23: {  	v4 =	vadd.s32 v1, v4;
	_ =	sdelay $0x4  }
0x24: {  	[tilespmem:s19], [sflag:$0x1] =	stream.indirect_vreg.gather [hbm4b:s2+s3], $0x80, v4, vm0, $0xb8;
	[tilespmem:$0x10800] =	vst v63  }
0x25: {  	v3 =	vperm.xlane v3, v2  }
0x26: {  	[tilespmem:s1], [sflag:$0x1] =	stream.indirect_vreg.gather [hbm4b:s5+s3], $0x80, v4, vm0, $0xb8;
	[tilespmem:$0x10800] =	vst v63  }
0x27: {  	v3 =	vadd.s32 v1, v3  }
0x28: {  	[tilespmem:s4], [sflag:$0x1] =	stream.indirect_vreg.gather [hbm4b:s6+s3], $0x80, v4, vm0, $0xb8;
	[tilespmem:$0x10800] =	vst v63  }
0x29: {  	_ = 	snop  }
0x2a: {  	[tilespmem:s21], [sflag:$0x1] =	stream.indirect_vreg.gather [hbm4b:s7+s3], $0x80, v4, vm0, $0xb8;
	[tilespmem:$0x10800] =	vst v63  }
0x2b: {  	_ = 	snop  }
0x2c: {  	[tilespmem:s10], [sflag:$0x1] =	stream.indirect_vreg.gather [hbm4b:s2+s3], $0x80, v3, vm0, $0xb8;
	[tilespmem:$0x10800] =	vst v63  }
0x2d: {  	_ = 	snop  }
0x2e: {  	[tilespmem:s11], [sflag:$0x1] =	stream.indirect_vreg.gather [hbm4b:s5+s3], $0x80, v3, vm0, $0xb8;
	[tilespmem:$0x10800] =	vst v63  }
0x2f: {  	_ = 	snop  }
0x30: {  	[tilespmem:s12], [sflag:$0x1] =	stream.indirect_vreg.gather [hbm4b:s6+s3], $0x80, v3, vm0, $0xb8;
	[tilespmem:$0x10800] =	vst v63  }
0x31: {  	_ = 	snop  }
0x32: {  	[tilespmem:s15], [sflag:$0x1] =	stream.indirect_vreg.gather [hbm4b:s7+s3], $0x80, v3, vm0, $0xb8;
	[tilespmem:$0x10800] =	vst v63  }
0x33: {  	v3 =	vld [tilespmem:$0x10];
	_ =	sdelay $0x4  }
0x34: {  	v61 =	vshll.u32 v3, $0x3  }
0x35: {  	v3 =	vand.u32 $0x7, v3;
	v4 =	vand.u32 $0xFFFFFFC0, v61  }
0x36: {  	v3 =	vor.u32 v3, v4  }
0x37: {  	v4 =	vperm.xlane v3, v0;
	_ =	sdelay $0x1  }
0x38: {  	v4 =	vadd.s32 v1, v4;
	_ =	sdelay $0x4  }
0x39: {  	[tilespmem:s31], [sflag:$0x2] =	stream.indirect_vreg.gather [hbm4b:s2+s3], $0x80, v4, vm0, $0xb8;
	[tilespmem:$0x10800] =	vst v63  }
0x3a: {  	v3 =	vperm.xlane v3, v2  }
0x3b: {  	[tilespmem:s16], [sflag:$0x2] =	stream.indirect_vreg.gather [hbm4b:s5+s3], $0x80, v4, vm0, $0xb8;
	[tilespmem:$0x10800] =	vst v63  }
0x3c: {  	v3 =	vadd.s32 v1, v3  }
0x3d: {  	[tilespmem:s17], [sflag:$0x2] =	stream.indirect_vreg.gather [hbm4b:s6+s3], $0x80, v4, vm0, $0xb8;
	[tilespmem:$0x10800] =	vst v63  }
0x3e: {  	_ = 	snop  }
0x3f: {  	[tilespmem:s18], [sflag:$0x2] =	stream.indirect_vreg.gather [hbm4b:s7+s3], $0x80, v4, vm0, $0xb8;
	[tilespmem:$0x10800] =	vst v63  }
0x40: {  	_ = 	snop  }
0x41: {  	[tilespmem:s14], [sflag:$0x2] =	stream.indirect_vreg.gather [hbm4b:s2+s3], $0x80, v3, vm0, $0xb8;
	[tilespmem:$0x10800] =	vst v63  }
0x42: {  	_ = 	snop  }
0x43: {  	[tilespmem:s20], [sflag:$0x2] =	stream.indirect_vreg.gather [hbm4b:s5+s3], $0x80, v3, vm0, $0xb8;
	[tilespmem:$0x10800] =	vst v63  }
0x44: {  	_ = 	snop  }
0x45: {  	[tilespmem:s22], [sflag:$0x2] =	stream.indirect_vreg.gather [hbm4b:s6+s3], $0x80, v3, vm0, $0xb8;
	[tilespmem:$0x10800] =	vst v63  }
0x46: {  	s4 =	simm.s32 $0x8000  }
0x47: {  	[tilespmem:s4], [sflag:$0x2] =	stream.indirect_vreg.gather [hbm4b:s7+s3], $0x80, v3, vm0, $0xb8;
	[tilespmem:$0x10800] =	vst v63  }
0x48: {  	v3 =	vld [tilespmem:$0x20];
	_ =	sdelay $0x4  }
0x49: {  	v62 =	vshll.u32 v3, $0x3  }
0x4a: {  	v3 =	vand.u32 $0x7, v3;
	v4 =	vand.u32 $0xFFFFFFC0, v62  }
0x4b: {  	v3 =	vor.u32 v3, v4  }
0x4c: {  	v4 =	vperm.xlane v3, v0;
	_ =	sdelay $0x1  }
0x4d: {  	v4 =	vadd.s32 v1, v4;
	_ =	sdelay $0x4  }
0x4e: {  	[tilespmem:s9], [sflag:$0x3] =	stream.indirect_vreg.gather [hbm4b:s2+s3], $0x80, v4, vm0, $0xb8;
	[tilespmem:$0x10800] =	vst v63  }
0x4f: {  	s10 =	simm.s32 $0x9000;
	v3 =	vperm.xlane v3, v2  }
0x50: {  	[tilespmem:s10], [sflag:$0x3] =	stream.indirect_vreg.gather [hbm4b:s5+s3], $0x80, v4, vm0, $0xb8;
	[tilespmem:$0x10800] =	vst v63  }
0x51: {  	s11 =	simm.s32 $0x9800;
	v3 =	vadd.s32 v1, v3  }
0x52: {  	[tilespmem:s11], [sflag:$0x3] =	stream.indirect_vreg.gather [hbm4b:s6+s3], $0x80, v4, vm0, $0xb8;
	[tilespmem:$0x10800] =	vst v63  }
0x53: {  	s12 =	simm.s32 $0xA000  }
0x54: {  	[tilespmem:s12], [sflag:$0x3] =	stream.indirect_vreg.gather [hbm4b:s7+s3], $0x80, v4, vm0, $0xb8;
	[tilespmem:$0x10800] =	vst v63  }
0x55: {  	s14 =	simm.s32 $0xA800  }
0x56: {  	[tilespmem:s14], [sflag:$0x3] =	stream.indirect_vreg.gather [hbm4b:s2+s3], $0x80, v3, vm0, $0xb8;
	[tilespmem:$0x10800] =	vst v63  }
0x57: {  	s15 =	simm.s32 $0xB000  }
0x58: {  	[tilespmem:s15], [sflag:$0x3] =	stream.indirect_vreg.gather [hbm4b:s5+s3], $0x80, v3, vm0, $0xb8;
	[tilespmem:$0x10800] =	vst v63  }
0x59: {  	s16 =	simm.s32 $0xB800  }
0x5a: {  	[tilespmem:s16], [sflag:$0x3] =	stream.indirect_vreg.gather [hbm4b:s6+s3], $0x80, v3, vm0, $0xb8;
	[tilespmem:$0x10800] =	vst v63  }
0x5b: {  	s17 =	simm.s32 $0xC000  }
0x5c: {  	[tilespmem:s17], [sflag:$0x3] =	stream.indirect_vreg.gather [hbm4b:s7+s3], $0x80, v3, vm0, $0xb8;
	[tilespmem:$0x10800] =	vst v63  }
0x5d: {  	_ =	swait.ge [sflag:s8], $0x4000  }
0x5e: {  	[sflag:s8] =	ssyncset.done $0x0  }
0x5f: {  	s18 =	rddreg [dreg:$0x6];
	[sflag:s8] =	ssyncadd.s32 $0xFFFFC000  }
0x60: {  	[hbm4b:s18+s3] =	stream.linear.scatter [tilespmem:s19], [sflag:$0x5], $0x4000, $0x38;
	[tilespmem:$0x10800] =	vst v63  }
0x61: {  	v3 =	vld [tilespmem:$0x30];
	_ =	sdelay $0x4  }
0x62: {  	v63 =	vshll.u32 v3, $0x3  }
0x63: {  	v3 =	vand.u32 $0x7, v3;
	v4 =	vand.u32 $0xFFFFFFC0, v63  }
0x64: {  	v3 =	vor.u32 v3, v4  }
0x65: {  	v4 =	vperm.xlane v3, v0;
	_ =	sdelay $0x1  }
0x66: {  	v4 =	vadd.s32 v1, v4;
	_ =	sdelay $0x4  }
0x67: {  	[tilespmem:s13], [sflag:$0x4] =	stream.indirect_vreg.gather [hbm4b:s2+s3], $0x80, v4, vm0, $0xb8;
	[tilespmem:$0x10800] =	vst v63  }
0x68: {  	s19 =	simm.s32 $0xD000;
	v3 =	vperm.xlane v3, v2  }
0x69: {  	[tilespmem:s19], [sflag:$0x4] =	stream.indirect_vreg.gather [hbm4b:s5+s3], $0x80, v4, vm0, $0xb8;
	[tilespmem:$0x10800] =	vst v63  }
0x6a: {  	s20 =	simm.s32 $0xD800;
	v3 =	vadd.s32 v1, v3  }
0x6b: {  	[tilespmem:s20], [sflag:$0x4] =	stream.indirect_vreg.gather [hbm4b:s6+s3], $0x80, v4, vm0, $0xb8;
	[tilespmem:$0x10800] =	vst v63  }
0x6c: {  	s0 =	simm.s32 $0x70;
	s1 =	simm.s32 $0x0;
	s21 =	simm.s32 $0xE000  }
0x6d: {  	[tilespmem:s21], [sflag:$0x4] =	stream.indirect_vreg.gather [hbm4b:s7+s3], $0x80, v4, vm0, $0xb8;
	[tilespmem:$0x10800] =	vst v63  }
0x6e: {  	s31 =	simm.s32 $0xF000;
	s22 =	simm.s32 $0xE800;
	s11 =	simm.s32 $0x10000  }
0x6f: {  	[tilespmem:s22], [sflag:$0x4] =	stream.indirect_vreg.gather [hbm4b:s2+s3], $0x80, v3, vm0, $0xb8;
	[tilespmem:$0x10800] =	vst v63  }
0x70: {  	s12 =	simm.s32 $0x2000;
	s14 =	simm.s32 $0x6800;
	s16 =	simm.s32 $0xF800  }
0x71: {  	[tilespmem:s31], [sflag:$0x4] =	stream.indirect_vreg.gather [hbm4b:s5+s3], $0x80, v3, vm0, $0xb8;
	[tilespmem:$0x10800] =	vst v63  }
0x72: {  	s17 =	simm.s32 $0x3800;
	s18 =	simm.s32 $0x7800;
	s19 =	simm.s32 $0x5000  }
0x73: {  	[tilespmem:s16], [sflag:$0x4] =	stream.indirect_vreg.gather [hbm4b:s6+s3], $0x80, v3, vm0, $0xb8;
	[tilespmem:$0x10800] =	vst v63  }
0x74: {  	s20 =	simm.s32 $0x5800;
	s21 =	simm.s32 $0x7000;
	s22 =	simm.s32 $0x800  }
0x75: {  	[tilespmem:s11], [sflag:$0x4] =	stream.indirect_vreg.gather [hbm4b:s7+s3], $0x80, v3, vm0, $0xb8;
	[tilespmem:$0x10800] =	vst v63  }
.LBB2_2:
0x76: {  	_ =	swait.ge [sflag:s23], $0x4000  }
0x77: {  	s4 =	rddreg [dreg:$0x4]  }
0x78: {  	[sflag:s23] =	ssyncset.done $0x0;
	s4 =	sadd.s32 s1, s4  }
0x79: {  	s15 =	simm.s32 $0x4800;
	[sflag:s23] =	ssyncadd.s32 $0xFFFFC000;
	s9 =	sadd.s32 $0x800, s4  }
0x7a: {  	[hbm4b:s9+s3] =	stream.linear.scatter [tilespmem:s15], [sflag:$0x6], $0x4000, $0x38;
	[tilespmem:$0x10800] =	vst v63  }
0x7b: {  	_ =	swait.ge [sflag:s24], $0x4000  }
0x7c: {  	[sflag:s24] =	ssyncset.done $0x0  }
0x7d: {  	[sflag:s24] =	ssyncadd.s32 $0xFFFFC000  }
0x7e: {  	v3 =	vld [tilespmem:s0+$0xFFFFFFD0];
	_ =	sdelay $0x4  }
0x7f: {  	v4 =	vshll.u32 v3, $0x3  }
0x80: {  	v3 =	vand.u32 $0x7, v3;
	v4 =	vand.u32 $0xFFFFFFC0, v4  }
0x81: {  	v3 =	vor.u32 v3, v4  }
0x82: {  	v4 =	vperm.xlane v3, v0;
	_ =	sdelay $0x1  }
0x83: {  	v4 =	vadd.s32 v1, v4;
	_ =	sdelay $0x4  }
0x84: {  	[tilespmem:s22], [sflag:$0x1] =	stream.indirect_vreg.gather [hbm4b:s2+s3], $0x80, v4, vm0, $0xb8;
	[tilespmem:$0x10800] =	vst v63  }
0x85: {  	s10 =	simm.s32 $0x1000;
	v3 =	vperm.xlane v3, v2  }
0x86: {  	[tilespmem:s10], [sflag:$0x1] =	stream.indirect_vreg.gather [hbm4b:s5+s3], $0x80, v4, vm0, $0xb8;
	[tilespmem:$0x10800] =	vst v63  }
0x87: {  	v3 =	vadd.s32 v1, v3;
	s10 =	simm.s32 $0x1800  }
0x88: {  	[tilespmem:s10], [sflag:$0x1] =	stream.indirect_vreg.gather [hbm4b:s6+s3], $0x80, v4, vm0, $0xb8;
	[tilespmem:$0x10800] =	vst v63  }
0x89: {  	_ = 	snop  }
0x8a: {  	[tilespmem:s12], [sflag:$0x1] =	stream.indirect_vreg.gather [hbm4b:s7+s3], $0x80, v4, vm0, $0xb8;
	[tilespmem:$0x10800] =	vst v63  }
0x8b: {  	s10 =	simm.s32 $0x2800  }
0x8c: {  	[tilespmem:s10], [sflag:$0x1] =	stream.indirect_vreg.gather [hbm4b:s2+s3], $0x80, v3, vm0, $0xb8;
	[tilespmem:$0x10800] =	vst v63  }
0x8d: {  	s10 =	simm.s32 $0x3000  }
0x8e: {  	[tilespmem:s10], [sflag:$0x1] =	stream.indirect_vreg.gather [hbm4b:s5+s3], $0x80, v3, vm0, $0xb8;
	[tilespmem:$0x10800] =	vst v63  }
0x8f: {  	_ = 	snop  }
0x90: {  	[tilespmem:s17], [sflag:$0x1] =	stream.indirect_vreg.gather [hbm4b:s6+s3], $0x80, v3, vm0, $0xb8;
	[tilespmem:$0x10800] =	vst v63  }
0x91: {  	s10 =	simm.s32 $0x4000  }
0x92: {  	[tilespmem:s10], [sflag:$0x1] =	stream.indirect_vreg.gather [hbm4b:s7+s3], $0x80, v3, vm0, $0xb8;
	[tilespmem:$0x10800] =	vst v63  }
0x93: {  	_ =	swait.ge [sflag:s25], $0x4000  }
0x94: {  	[sflag:s25] =	ssyncset.done $0x0  }
0x95: {  	s9 =	sadd.s32 $0x1000, s4;
	s10 =	simm.s32 $0x8800;
	[sflag:s25] =	ssyncadd.s32 $0xFFFFC000  }
0x96: {  	[hbm4b:s9+s3] =	stream.linear.scatter [tilespmem:s10], [sflag:$0x7], $0x4000, $0x38;
	[tilespmem:$0x10800] =	vst v63  }
0x97: {  	_ =	swait.ge [sflag:s26], $0x4000  }
0x98: {  	[sflag:s26] =	ssyncset.done $0x0  }
0x99: {  	[sflag:s26] =	ssyncadd.s32 $0xFFFFC000  }
0x9a: {  	v3 =	vld [tilespmem:s0+$0xFFFFFFE0];
	_ =	sdelay $0x4  }
0x9b: {  	v61 =	vshll.u32 v3, $0x3  }
0x9c: {  	v3 =	vand.u32 $0x7, v3;
	v4 =	vand.u32 $0xFFFFFFC0, v61  }
0x9d: {  	v3 =	vor.u32 v3, v4  }
0x9e: {  	v4 =	vperm.xlane v3, v0;
	_ =	sdelay $0x1  }
0x9f: {  	v4 =	vadd.s32 v1, v4;
	_ =	sdelay $0x4  }
0xa0: {  	[tilespmem:s15], [sflag:$0x2] =	stream.indirect_vreg.gather [hbm4b:s2+s3], $0x80, v4, vm0, $0xb8;
	[tilespmem:$0x10800] =	vst v63  }
0xa1: {  	v3 =	vperm.xlane v3, v2  }
0xa2: {  	[tilespmem:s19], [sflag:$0x2] =	stream.indirect_vreg.gather [hbm4b:s5+s3], $0x80, v4, vm0, $0xb8;
	[tilespmem:$0x10800] =	vst v63  }
0xa3: {  	v3 =	vadd.s32 v1, v3  }
0xa4: {  	[tilespmem:s20], [sflag:$0x2] =	stream.indirect_vreg.gather [hbm4b:s6+s3], $0x80, v4, vm0, $0xb8;
	[tilespmem:$0x10800] =	vst v63  }
0xa5: {  	s15 =	simm.s32 $0x6000  }
0xa6: {  	[tilespmem:s15], [sflag:$0x2] =	stream.indirect_vreg.gather [hbm4b:s7+s3], $0x80, v4, vm0, $0xb8;
	[tilespmem:$0x10800] =	vst v63  }
0xa7: {  	_ = 	snop  }
0xa8: {  	[tilespmem:s14], [sflag:$0x2] =	stream.indirect_vreg.gather [hbm4b:s2+s3], $0x80, v3, vm0, $0xb8;
	[tilespmem:$0x10800] =	vst v63  }
0xa9: {  	_ = 	snop  }
0xaa: {  	[tilespmem:s21], [sflag:$0x2] =	stream.indirect_vreg.gather [hbm4b:s5+s3], $0x80, v3, vm0, $0xb8;
	[tilespmem:$0x10800] =	vst v63  }
0xab: {  	_ = 	snop  }
0xac: {  	[tilespmem:s18], [sflag:$0x2] =	stream.indirect_vreg.gather [hbm4b:s6+s3], $0x80, v3, vm0, $0xb8;
	[tilespmem:$0x10800] =	vst v63  }
0xad: {  	s15 =	simm.s32 $0x8000  }
0xae: {  	[tilespmem:s15], [sflag:$0x2] =	stream.indirect_vreg.gather [hbm4b:s7+s3], $0x80, v3, vm0, $0xb8;
	[tilespmem:$0x10800] =	vst v63  }
0xaf: {  	_ =	swait.ge [sflag:s28], $0x4000  }
0xb0: {  	[sflag:s28] =	ssyncset.done $0x0  }
0xb1: {  	s15 =	sadd.s32 $0x1800, s4;
	[sflag:s28] =	ssyncadd.s32 $0xFFFFC000  }
0xb2: {  	[hbm4b:s15+s3] =	stream.linear.scatter [tilespmem:s13], [sflag:$0x8], $0x4000, $0x38;
	[tilespmem:$0x10800] =	vst v63  }
0xb3: {  	_ =	swait.ge [sflag:s29], $0x4000  }
0xb4: {  	[sflag:s29] =	ssyncset.done $0x0  }
0xb5: {  	[sflag:s29] =	ssyncadd.s32 $0xFFFFC000  }
0xb6: {  	v3 =	vld [tilespmem:s0+$0xFFFFFFF0];
	_ =	sdelay $0x4  }
0xb7: {  	v62 =	vshll.u32 v3, $0x3  }
0xb8: {  	v3 =	vand.u32 $0x7, v3;
	v4 =	vand.u32 $0xFFFFFFC0, v62  }
0xb9: {  	v3 =	vor.u32 v3, v4  }
0xba: {  	v4 =	vperm.xlane v3, v0;
	_ =	sdelay $0x1  }
0xbb: {  	v4 =	vadd.s32 v1, v4;
	_ =	sdelay $0x4  }
0xbc: {  	[tilespmem:s10], [sflag:$0x3] =	stream.indirect_vreg.gather [hbm4b:s2+s3], $0x80, v4, vm0, $0xb8;
	[tilespmem:$0x10800] =	vst v63  }
0xbd: {  	s15 =	simm.s32 $0x9000;
	v3 =	vperm.xlane v3, v2  }
0xbe: {  	[tilespmem:s15], [sflag:$0x3] =	stream.indirect_vreg.gather [hbm4b:s5+s3], $0x80, v4, vm0, $0xb8;
	[tilespmem:$0x10800] =	vst v63  }
0xbf: {  	v3 =	vadd.s32 v1, v3;
	s15 =	simm.s32 $0x9800  }
0xc0: {  	[tilespmem:s15], [sflag:$0x3] =	stream.indirect_vreg.gather [hbm4b:s6+s3], $0x80, v4, vm0, $0xb8;
	[tilespmem:$0x10800] =	vst v63  }
0xc1: {  	s15 =	simm.s32 $0xA000  }
0xc2: {  	[tilespmem:s15], [sflag:$0x3] =	stream.indirect_vreg.gather [hbm4b:s7+s3], $0x80, v4, vm0, $0xb8;
	[tilespmem:$0x10800] =	vst v63  }
0xc3: {  	s15 =	simm.s32 $0xA800  }
0xc4: {  	[tilespmem:s15], [sflag:$0x3] =	stream.indirect_vreg.gather [hbm4b:s2+s3], $0x80, v3, vm0, $0xb8;
	[tilespmem:$0x10800] =	vst v63  }
0xc5: {  	s15 =	simm.s32 $0xB000  }
0xc6: {  	[tilespmem:s15], [sflag:$0x3] =	stream.indirect_vreg.gather [hbm4b:s5+s3], $0x80, v3, vm0, $0xb8;
	[tilespmem:$0x10800] =	vst v63  }
0xc7: {  	s15 =	simm.s32 $0xB800  }
0xc8: {  	[tilespmem:s15], [sflag:$0x3] =	stream.indirect_vreg.gather [hbm4b:s6+s3], $0x80, v3, vm0, $0xb8;
	[tilespmem:$0x10800] =	vst v63  }
0xc9: {  	s15 =	simm.s32 $0xC000  }
0xca: {  	[tilespmem:s15], [sflag:$0x3] =	stream.indirect_vreg.gather [hbm4b:s7+s3], $0x80, v3, vm0, $0xb8;
	[tilespmem:$0x10800] =	vst v63  }
0xcb: {  	_ =	swait.ge [sflag:s8], $0x4000  }
0xcc: {  	[sflag:s8] =	ssyncset.done $0x0  }
0xcd: {  	s4 =	sadd.s32 $0x2000, s4;
	[sflag:s8] =	ssyncadd.s32 $0xFFFFC000  }
0xce: {  	[hbm4b:s4+s3] =	stream.linear.scatter [tilespmem:s22], [sflag:$0x5], $0x4000, $0x38;
	[tilespmem:$0x10800] =	vst v63  }
0xcf: {  	_ =	swait.ge [sflag:s30], $0x4000  }
0xd0: {  	[sflag:s30] =	ssyncset.done $0x0  }
0xd1: {  	[sflag:s30] =	ssyncadd.s32 $0xFFFFC000  }
0xd2: {  	v3 =	vld [tilespmem:s0+$0x0];
	_ =	sdelay $0x4  }
0xd3: {  	v63 =	vshll.u32 v3, $0x3  }
0xd4: {  	v3 =	vand.u32 $0x7, v3;
	v4 =	vand.u32 $0xFFFFFFC0, v63  }
0xd5: {  	v3 =	vor.u32 v3, v4  }
0xd6: {  	v4 =	vperm.xlane v3, v0;
	_ =	sdelay $0x1  }
0xd7: {  	v4 =	vadd.s32 v1, v4;
	_ =	sdelay $0x4  }
0xd8: {  	[tilespmem:s13], [sflag:$0x4] =	stream.indirect_vreg.gather [hbm4b:s2+s3], $0x80, v4, vm0, $0xb8;
	[tilespmem:$0x10800] =	vst v63  }
0xd9: {  	s15 =	simm.s32 $0xD000;
	v3 =	vperm.xlane v3, v2  }
0xda: {  	[tilespmem:s15], [sflag:$0x4] =	stream.indirect_vreg.gather [hbm4b:s5+s3], $0x80, v4, vm0, $0xb8;
	[tilespmem:$0x10800] =	vst v63  }
0xdb: {  	s10 =	simm.s32 $0xD800;
	v3 =	vadd.s32 v1, v3  }
0xdc: {  	[tilespmem:s10], [sflag:$0x4] =	stream.indirect_vreg.gather [hbm4b:s6+s3], $0x80, v4, vm0, $0xb8;
	[tilespmem:$0x10800] =	vst v63  }
0xdd: {  	s15 =	simm.s32 $0xE000  }
0xde: {  	[tilespmem:s15], [sflag:$0x4] =	stream.indirect_vreg.gather [hbm4b:s7+s3], $0x80, v4, vm0, $0xb8;
	[tilespmem:$0x10800] =	vst v63  }
0xdf: {  	s10 =	simm.s32 $0xE800  }
0xe0: {  	[tilespmem:s10], [sflag:$0x4] =	stream.indirect_vreg.gather [hbm4b:s2+s3], $0x80, v3, vm0, $0xb8;
	[tilespmem:$0x10800] =	vst v63  }
0xe1: {  	p0 =	sne.s32 s1, $0x3C000;
	s15 =	simm.s32 $0xF000  }
0xe2: {  	[tilespmem:s15], [sflag:$0x4] =	stream.indirect_vreg.gather [hbm4b:s5+s3], $0x80, v3, vm0, $0xb8;
	[tilespmem:$0x10800] =	vst v63  }
.Ltmp0:
0xe3: {  	_ = 	snop;
	(pc) =	sbr.rel @p0 .LBB2_2-.Ltmp0, $4  }
0xe4: {  	s31 =	simm.s32 $0x4800  }
0xe5: {  	[tilespmem:s16], [sflag:$0x4] =	stream.indirect_vreg.gather [hbm4b:s6+s3], $0x80, v3, vm0, $0xb8;
	[tilespmem:$0x10800] =	vst v63  }
0xe6: {  	s1 =	sadd.s32 $0x2000, s1;
	s9 =	simm.s32 $0x8800;
	s0 =	sadd.s32 $0x40, s0  }
0xe7: {  	[tilespmem:s11], [sflag:$0x4] =	stream.indirect_vreg.gather [hbm4b:s7+s3], $0x80, v3, vm0, $0xb8;
	[tilespmem:$0x10800] =	vst v63  }
0xe8: {  	_ =	swait.ge [sflag:s23], $0x4000  }
0xe9: {  	[sflag:s23] =	ssyncset.done $0x0  }
0xea: {  	s0 =	rddreg [dreg:$0x7];
	[sflag:s23] =	ssyncadd.s32 $0xFFFFC000  }
0xeb: {  	[hbm4b:s0+s3] =	stream.linear.scatter [tilespmem:s31], [sflag:$0x6], $0x4000, $0x38;
	[tilespmem:$0x10800] =	vst v63  }
0xec: {  	_ =	swait.ge [sflag:s24], $0x4000  }
0xed: {  	[sflag:s24] =	ssyncset.done $0x0  }
0xee: {  	[sflag:s24] =	ssyncadd.s32 $0xFFFFC000  }
0xef: {  	_ =	swait.ge [sflag:s25], $0x4000  }
0xf0: {  	[sflag:s25] =	ssyncset.done $0x0  }
0xf1: {  	s20 =	rddreg [dreg:$0x8];
	[sflag:s25] =	ssyncadd.s32 $0xFFFFC000  }
0xf2: {  	[hbm4b:s20+s3] =	stream.linear.scatter [tilespmem:s9], [sflag:$0x7], $0x4000, $0x38;
	[tilespmem:$0x10800] =	vst v63  }
0xf3: {  	_ =	swait.ge [sflag:s26], $0x4000  }
0xf4: {  	[sflag:s26] =	ssyncset.done $0x0  }
0xf5: {  	[sflag:s26] =	ssyncadd.s32 $0xFFFFC000  }
0xf6: {  	_ =	swait.ge [sflag:s28], $0x4000  }
0xf7: {  	[sflag:s28] =	ssyncset.done $0x0  }
0xf8: {  	s21 =	rddreg [dreg:$0x9];
	[sflag:s28] =	ssyncadd.s32 $0xFFFFC000  }
0xf9: {  	[hbm4b:s21+s3] =	stream.linear.scatter [tilespmem:s13], [sflag:$0x8], $0x4000, $0x38;
	[tilespmem:$0x10800] =	vst v63  }
0xfa: {  	_ =	swait.ge [sflag:s29], $0x4000  }
0xfb: {  	[sflag:s29] =	ssyncset.done $0x0  }
0xfc: {  	[sflag:s29] =	ssyncadd.s32 $0xFFFFC000  }
0xfd: {  	_ =	swait.ge [sflag:s30], $0x4000  }
0xfe: {  	s1 =	rddreg [dreg:$0xb]  }
0xff: {  	s4 =	simm.s32 $0x1800;
	s22 =	rddreg [dreg:$0xa];
	s1 =	sadd.s32 $0x1, s1  }
0x100: {  	s10 =	simm.s32 $0x2800;
	s11 =	simm.s32 $0x3000;
	p0 =	sne.s32 s1, s22  }
.Ltmp1:
0x101: {  	s12 =	simm.s32 $0x3800;
	s15 =	simm.s32 $0x4000;
	(pc) =	sbr.rel @p0 .LBB2_1-.Ltmp1, $4  }
0x102: {  	s16 =	simm.s32 $0x5000;
	s17 =	simm.s32 $0x5800;
	s18 =	simm.s32 $0x6000  }
0x103: {  	s14 =	simm.s32 $0x6800;
	s19 =	simm.s32 $0x800;
	[sflag:s30] =	ssyncset.done $0x0  }
0x104: {  	s20 =	simm.s32 $0x7000;
	s21 =	simm.s32 $0x2000;
	[sflag:s30] =	ssyncadd.s32 $0xFFFFC000  }
0x105: {  	[dreg:$0xb] =	wrdreg s1;
	s1 =	simm.s32 $0x1000;
	s22 =	simm.s32 $0x7800  }
0x106: {  	_ =	sfence.sel $0x180000  }
0x107: {  	[bflag:$0x0] =	sbarrier.arrive $0xFFFF  }
0x108: {  	_ =	strace $0x90000047  }
0x109: {  	s0 =	stileid.u32;
	[bflag:$0x2] =	sbarrier.arrive $0xFFFF  }
0x10a: {  	p0 =	sne.s32 s0, $0x0;
	s0 =	rddreg [dreg:$0x3]  }
0x10b: {  	s0 =	sadd.s32 @!p0 $0x100000, s0  }
0x10c: {  	[sflag:s0] =	ssyncadd.tile.s32 @!p0 $0x1;
	_ =	shalt  }
.Lfunc_end2:
_tile_overlayer_lowered:
.L_overlay_start_2:
0x10d: {  	(tag) =	ssettag $0x2  }
0x10e: {  	s0 =	rddreg [dreg:$0x0];
	s2 =	stileid.u32  }
0x10f: {  	s1 =	rddreg [dreg:$0x1];
	p0 =	sne.s32 s2, $0x0  }
0x110: {  	s3 =	rddreg [dreg:$0x2];
	[bflag:$0x3] =	sbarrier.arrive $0xFFFF;
	s2 =	simm.s32 @!p0 $0x1C09  }
0x111: {  	[timem:s3], [sflag:s2] =	dma.local @!p0 [hbm:s0], s1  }
0x112: {  	s0 =	simm.s32 @!p0 $0x9  }
0x113: {  	_ =	swait.ge @!p0 [sflag:s0], s1  }
0x114: {  	s1 =	ssub.s32 @!p0 $0x0, s1;
	[sflag:s0] =	ssyncset.done @!p0 $0x0  }
0x115: {  	[sflag:s0] =	ssyncadd.s32 @!p0 s1  }
0x116: {  	[bflag:$0x3] =	sbarrier.arrive $0xFFFF  }
0x117: {  	_ =	shalt  }

</sc_bundles>
